<compile_context>
chip_gen: v7x
topology: tpu7x:2x2x1
jax: 0.10.2.dev20260603
libtpu: 0.0.44.dev20260713+nightly
codegen_flags: <defaults>
</compile_context>

<pallas_src>
import functools

import jax
import jax.numpy as jnp
from jax import lax
from jax.experimental import pallas as pl
from jax.experimental.pallas import tpu as pltpu
from jax.experimental.pallas import tpu_sc as plsc

N = 10000
D = 128
E = 320000
E_TOT = E + N
NC = 2
NS = 16
NW = NC * NS
CHUNK = 128
NCHUNK = 81
EPW = CHUNK * NCHUNK
EP = EPW * NW
PAD = EP - E_TOT
ROWS_PT = 624
TAIL_OFF = ROWS_PT * NS
TAIL = N - TAIL_OFF
ZROWS = 104
NEG_SLOPE = 0.2


def _proj_body(x_ref, w_ref, att2_ref, h_ref, a2_ref):
    h = jnp.dot(x_ref[...], w_ref[...], preferred_element_type=jnp.float32)
    h_ref[...] = h
    a2_ref[...] = jnp.dot(h, att2_ref[...], preferred_element_type=jnp.float32)


def _project(x, W, att2):
    blk = 1000
    return pl.pallas_call(
        _proj_body,
        grid=(N // blk,),
        in_specs=[
            pl.BlockSpec((blk, D), lambda i: (i, 0)),
            pl.BlockSpec((D, D), lambda i: (0, 0)),
            pl.BlockSpec((D, 8), lambda i: (0, 0)),
        ],
        out_specs=[
            pl.BlockSpec((blk, D), lambda i: (i, 0)),
            pl.BlockSpec((blk, 8), lambda i: (i, 0)),
        ],
        out_shape=[
            jax.ShapeDtypeStruct((N, D), jnp.float32),
            jax.ShapeDtypeStruct((N, 8), jnp.float32),
        ],
    )(x, W, att2)


def _gat_sc_body(a_s_hbm, a_d_hbm, src_hbm, dst3_hbm, h_hbm,
                 num_hbm, denp_hbm,
                 dst_v, den_v, buf_v, src_c, asg_c, adg_c, ex_c,
                 sem, sem2, sem3, num_sh):
    cid = lax.axis_index("c")
    sid = lax.axis_index("s")
    wid = cid * NS + sid
    base = wid * EPW

    pltpu.sync_copy(dst3_hbm.at[wid], dst_v)

    zero16 = jnp.zeros((16,), jnp.float32)

    def _zrow(r, _):
        for j in range(D // 16):
            buf_v[r, pl.ds(j * 16, 16)] = zero16
        return 0
    lax.fori_loop(0, ZROWS, _zrow, 0)

    def _zcopy(k, _):
        pltpu.sync_copy(buf_v.at[pl.ds(0, ZROWS)],
                        num_sh.at[pl.ds(sid * ROWS_PT + k * ZROWS, ZROWS)])
        return 0
    lax.fori_loop(0, ROWS_PT // ZROWS, _zcopy, 0)

    @pl.when(sid == 0)
    def _ztail():
        pltpu.sync_copy(buf_v.at[pl.ds(0, TAIL)],
                        num_sh.at[pl.ds(TAIL_OFF, TAIL)])

    def _zden(i, _):
        den_v[pl.ds(i * 16, 16)] = zero16
        return 0
    lax.fori_loop(0, N // 16, _zden, 0)

    plsc.subcore_barrier()

    def _p(k, _):
        pltpu.sync_copy(src_hbm.at[pl.ds(base + k * CHUNK, CHUNK)], src_c)
        cp1 = pltpu.async_copy(a_s_hbm.at[src_c], asg_c, sem)
        cp2 = pltpu.async_copy(a_d_hbm.at[dst_v.at[k]], adg_c, sem2)
        cp3 = pltpu.async_copy(h_hbm.at[src_c], buf_v, sem3)
        cp1.wait()
        cp2.wait()

        for t in range(CHUNK // 16):
            e = asg_c[pl.ds(t * 16, 16)] + adg_c[pl.ds(t * 16, 16)]
            e = jnp.where(e > 0, e, NEG_SLOPE * e)
            gid = base + k * CHUNK + t * 16 + lax.iota(jnp.int32, 16)
            ex = jnp.where(gid < E_TOT, jnp.exp(e), 0.0)
            ex_c[pl.ds(t * 16, 16)] = ex
            didx = dst_v[k, pl.ds(t * 16, 16)]
            plsc.addupdate_scatter(den_v, [didx], ex)

        cp3.wait()

        def _scale(r, _):
            sv = plsc.load_gather(ex_c, [jnp.full((16,), r, jnp.int32)])
            for j in range(D // 16):
                buf_v[r, pl.ds(j * 16, 16)] = buf_v[r, pl.ds(j * 16, 16)] * sv
            return 0
        lax.fori_loop(0, CHUNK, _scale, 0)

        pltpu.sync_copy(buf_v, num_sh.at[dst_v.at[k]], add=True)
        return 0
    lax.fori_loop(0, NCHUNK, _p, 0)

    pltpu.sync_copy(den_v, denp_hbm.at[wid])

    plsc.subcore_barrier()
    pltpu.sync_copy(num_sh.at[pl.ds(sid * ROWS_PT, ROWS_PT)],
                    num_hbm.at[cid].at[pl.ds(sid * ROWS_PT, ROWS_PT)])

    @pl.when(sid == 0)
    def _ntail():
        pltpu.sync_copy(num_sh.at[pl.ds(TAIL_OFF, TAIL)],
                        num_hbm.at[cid].at[pl.ds(TAIL_OFF, TAIL)])


_gat_sc = functools.partial(
    pl.kernel,
    out_type=[
        jax.ShapeDtypeStruct((NC, N, D), jnp.float32),
        jax.ShapeDtypeStruct((NW, N), jnp.float32),
    ],
    mesh=plsc.VectorSubcoreMesh(core_axis_name="c", subcore_axis_name="s"),
    compiler_params=pltpu.CompilerParams(needs_layout_passes=False),
    scratch_types=[
        pltpu.VMEM((NCHUNK, CHUNK), jnp.int32),
        pltpu.VMEM((N,), jnp.float32),
        pltpu.VMEM((CHUNK, D), jnp.float32),
        pltpu.VMEM((CHUNK,), jnp.int32),
        pltpu.VMEM((CHUNK,), jnp.float32),
        pltpu.VMEM((CHUNK,), jnp.float32),
        pltpu.VMEM((CHUNK,), jnp.float32),
        pltpu.SemaphoreType.DMA,
        pltpu.SemaphoreType.DMA,
        pltpu.SemaphoreType.DMA,
        pltpu.VMEM_SHARED((N, D), jnp.float32),
    ],
)(_gat_sc_body)


def _fin_body(num_ref, den_ref, bias_ref, wl_ref, bl_ref, out_ref, acc_ref):
    i = pl.program_id(0)

    @pl.when(i == 0)
    def _():
        acc_ref[...] = jnp.zeros_like(acc_ref)

    nm = num_ref[0] + num_ref[1]
    dn = jnp.sum(den_ref[...], axis=1)
    o = jnp.maximum(nm / dn[:, None] + bias_ref[...][None, :], 0.0)
    acc_ref[...] += jnp.sum(o, axis=0, keepdims=True)

    @pl.when(i == pl.num_programs(0) - 1)
    def _():
        out_ref[...] = (
            jnp.dot(acc_ref[...] * (1.0 / N), wl_ref[...],
                    preferred_element_type=jnp.float32)
            + bl_ref[...][None, :]
        )


def _finalize(num, denp, bias, Wl, bl):
    blk = 1000
    return pl.pallas_call(
        _fin_body,
        grid=(N // blk,),
        in_specs=[
            pl.BlockSpec((NC, blk, D), lambda i: (0, i, 0)),
            pl.BlockSpec((blk, NW), lambda i: (i, 0)),
            pl.BlockSpec((D,), lambda i: (0,)),
            pl.BlockSpec((D, D), lambda i: (0, 0)),
            pl.BlockSpec((D,), lambda i: (0,)),
        ],
        out_specs=pl.BlockSpec((1, D), lambda i: (0, 0)),
        out_shape=jax.ShapeDtypeStruct((1, D), jnp.float32),
        scratch_shapes=[pltpu.VMEM((1, D), jnp.float32)],
    )(num, denp, bias, Wl, bl)


def kernel(x, edge_index, W, att_src, att_dst, bias, Wl, bl):
    loop = jnp.arange(N, dtype=jnp.int32)
    padz = jnp.zeros((PAD,), jnp.int32)
    src_p = jnp.concatenate([edge_index[0], loop, padz])
    dst_p = jnp.concatenate([edge_index[1], loop, padz])
    dst3 = dst_p.reshape(NW, NCHUNK, CHUNK)
    att2 = jnp.zeros((D, 8), jnp.float32)
    att2 = att2.at[:, 0].set(att_src).at[:, 1].set(att_dst)

    h, a2 = _project(x, W, att2)
    a_s = a2[:, 0]
    a_d = a2[:, 1]

    num, denp = _gat_sc(a_s, a_d, src_p, dst3, h)
    return _finalize(num, denp.T, bias, Wl, bl)

# --- scband reference (transcript-rebuilt; emitter-appended) ---
"""Pipeline reference for scband-dummy-gat-1726576853266 (READ-ONLY COPY).

The authoritative reference and input builder live on the scoring server;
editing this copy changes nothing except your own understanding.
"""

import jax, jax.numpy as jnp
import numpy as np

N = 10000
E = 320000
D_IN = 128
D_HID = 128
D_OUT = 128


def setup_inputs(seed: int = 0) -> dict:
    key = jax.random.key(seed)
    ks = jax.random.split(key, 8)
    x = jax.random.normal(ks[0], (N, D_IN), dtype=jnp.float32)
    edge_index = jax.random.randint(ks[1], (2, E), 0, N, dtype=jnp.int32)
    s_in = 1.0 / np.sqrt(D_IN)
    s_hid = 1.0 / np.sqrt(D_HID)
    W = jax.random.normal(ks[2], (D_IN, D_HID), dtype=jnp.float32) * s_in
    att_src = jax.random.normal(ks[3], (D_HID,), dtype=jnp.float32) * s_hid
    att_dst = jax.random.normal(ks[4], (D_HID,), dtype=jnp.float32) * s_hid
    bias = jnp.zeros((D_HID,), dtype=jnp.float32)
    Wl = jax.random.normal(ks[5], (D_HID, D_OUT), dtype=jnp.float32) * s_hid
    bl = jnp.zeros((D_OUT,), dtype=jnp.float32)
    return {"x": x, "edge_index": edge_index, "W": W, "att_src": att_src,
            "att_dst": att_dst, "bias": bias, "Wl": Wl, "bl": bl}


def reference(x, edge_index, W, att_src, att_dst, bias, Wl, bl):
    # GATConv (heads=1, PyG semantics incl. default add_self_loops=True)
    src = edge_index[0]
    dst = edge_index[1]
    loop = jnp.arange(N, dtype=src.dtype)
    src = jnp.concatenate([src, loop])
    dst = jnp.concatenate([dst, loop])
    h = x @ W                                  # [N, D_HID]
    a_s = h @ att_src                          # [N]
    a_d = h @ att_dst                          # [N]
    e = a_s[src] + a_d[dst]                    # gather per edge
    e = jnp.where(e > 0, e, 0.2 * e)           # leaky_relu(0.2)
    m = jax.ops.segment_max(e, dst, num_segments=N)
    ex = jnp.exp(e - m[dst])
    denom = jax.ops.segment_sum(ex, dst, num_segments=N)
    alpha = ex / denom[dst]                    # segment softmax over dst
    msg = alpha[:, None] * h[src]              # gather + weight
    out = jax.ops.segment_sum(msg, dst, num_segments=N)  # scatter-add
    out = out + bias
    out = jax.nn.relu(out)
    out = out @ Wl + bl
    return out.mean(0, keepdims=True)

if __name__ == "__main__":
    import jax
    _d = setup_inputs()
    print(jax.jit(kernel)(*tuple(_d.values())))

</pallas_src>

<mosaic_0001>
#map = affine_map<(d0, d1) -> (0)>
#map1 = affine_map<(d0, d1) -> (0, 0, 0)>
#map2 = affine_map<(d0, d1) -> (0, 0)>
module attributes {stable_mosaic.version = 14 : i64} {
  func.func @_gat_sc_body(%arg0: i32, %arg1: i32, %arg2: memref<10000xf32, #tpu.memory_space<hbm>>, %arg3: memref<10000xf32, #tpu.memory_space<hbm>>, %arg4: memref<331776xi32, #tpu.memory_space<hbm>>, %arg5: memref<32x81x128xi32, #tpu.memory_space<hbm>>, %arg6: memref<10000x128xf32, #tpu.memory_space<hbm>>, %arg7: memref<2x10000x128xf32, #tpu.memory_space<hbm>>, %arg8: memref<32x10000xf32, #tpu.memory_space<hbm>>, %arg9: memref<81x128xi32, #tpu.memory_space<vmem>>, %arg10: memref<10000xf32, #tpu.memory_space<vmem>>, %arg11: memref<128x128xf32, #tpu.memory_space<vmem>>, %arg12: memref<128xi32, #tpu.memory_space<vmem>>, %arg13: memref<128xf32, #tpu.memory_space<vmem>>, %arg14: memref<128xf32, #tpu.memory_space<vmem>>, %arg15: memref<128xf32, #tpu.memory_space<vmem>>, %arg16: memref<!tpu.dma_semaphore, #tpu.memory_space<semaphore_mem>>, %arg17: memref<!tpu.dma_semaphore, #tpu.memory_space<semaphore_mem>>, %arg18: memref<!tpu.dma_semaphore, #tpu.memory_space<semaphore_mem>>, %arg19: memref<10000x128xf32, #tpu.memory_space<vmem_shared>>) attributes {dimension_semantics = [#tpu.dimension_semantics<core_parallel>, #tpu.dimension_semantics<subcore_parallel>], iteration_bounds = array<i64: 2, 16>, scalar_prefetch = 0 : i64, scratch_operands = 11 : i64, tpu.core_type = #tpu.core_type<sc_vector_subcore>, window_params = [{transform_indices = #map}, {transform_indices = #map}, {transform_indices = #map}, {transform_indices = #map1}, {transform_indices = #map2}, {transform_indices = #map1}, {transform_indices = #map2}]} {
    %mul3A = arith.constant 16 : i32
    %mul3A_0 = arith.muli %arg0, %mul3A : i32
    %add3A = arith.addi %mul3A_0, %arg1 : i32
    %mul3A_1 = arith.constant 10368 : i32
    %mul3A_2 = arith.muli %add3A, %mul3A_1 : i32
    "tpu.region"() ({
      %run_scoped3A = tpu.sem_alloc : memref<!tpu.dma_semaphore, #tpu.memory_space<semaphore_mem>>
      %dma_start3A = arith.constant 0 : i32
      %dma_start3A_43 = arith.constant 0 : i32
      %dma_start3A_44 = tpu.memref_slice %arg5[%add3A, %dma_start3A, %dma_start3A_43] : memref<32x81x128xi32, #tpu.memory_space<hbm>> -> memref<1x81x128xi32, #tpu.memory_space<hbm>>
      %dma_start3A_45 = tpu.memref_squeeze %dma_start3A_44 : memref<1x81x128xi32, #tpu.memory_space<hbm>> -> memref<81x128xi32, #tpu.memory_space<hbm>>
      %dma_start3A_46 = arith.constant 0 : i32
      %dma_start3A_47 = arith.constant 0 : i32
      %dma_start3A_48 = tpu.memref_slice %arg5[%add3A, %dma_start3A_46, %dma_start3A_47] : memref<32x81x128xi32, #tpu.memory_space<hbm>> -> memref<1x81x128xi32, #tpu.memory_space<hbm>>
      %dma_start3A_49 = tpu.memref_squeeze %dma_start3A_48 : memref<1x81x128xi32, #tpu.memory_space<hbm>> -> memref<81x128xi32, #tpu.memory_space<hbm>>
      tpu.enqueue_dma source(%dma_start3A_49 : memref<81x128xi32, #tpu.memory_space<hbm>>) target(%arg9 : memref<81x128xi32, #tpu.memory_space<vmem>>) target_semaphore(%run_scoped3A : memref<!tpu.dma_semaphore, #tpu.memory_space<semaphore_mem>>)
      %dma_wait3A = arith.constant 0 : i32
      %dma_wait3A_50 = arith.constant 0 : i32
      %dma_wait3A_51 = tpu.memref_slice %arg5[%add3A, %dma_wait3A, %dma_wait3A_50] : memref<32x81x128xi32, #tpu.memory_space<hbm>> -> memref<1x81x128xi32, #tpu.memory_space<hbm>>
      %dma_wait3A_52 = tpu.memref_squeeze %dma_wait3A_51 : memref<1x81x128xi32, #tpu.memory_space<hbm>> -> memref<81x128xi32, #tpu.memory_space<hbm>>
      %dma_wait3A_53 = arith.constant 0 : i32
      %dma_wait3A_54 = arith.constant 0 : i32
      %dma_wait3A_55 = tpu.memref_slice %arg5[%add3A, %dma_wait3A_53, %dma_wait3A_54] : memref<32x81x128xi32, #tpu.memory_space<hbm>> -> memref<1x81x128xi32, #tpu.memory_space<hbm>>
      %dma_wait3A_56 = tpu.memref_squeeze %dma_wait3A_55 : memref<1x81x128xi32, #tpu.memory_space<hbm>> -> memref<81x128xi32, #tpu.memory_space<hbm>>
      tpu.wait_dma2 semaphore(%run_scoped3A : memref<!tpu.dma_semaphore, #tpu.memory_space<semaphore_mem>>) src(%dma_wait3A_56 : memref<81x128xi32, #tpu.memory_space<hbm>>) dst(%arg9 : memref<81x128xi32, #tpu.memory_space<vmem>>)
      tpu.yield
    }) : () -> ()
    %broadcast_in_dim3A = arith.constant 0.000000e+00 : f32
    %broadcast_in_dim3A_3 = vector.broadcast %broadcast_in_dim3A : f32 to vector<16xf32>
    %scan3A = arith.constant 0 : i32
    %scan3A_4 = arith.constant 0 : i32
    %scan3A_5 = arith.constant 104 : i32
    %scan3A_6 = arith.addi %scan3A_4, %scan3A_5 : i32
    %scan3A_7 = arith.constant 1 : i32
    %scan3A_8 = scf.for %scan3A_43 = %scan3A_4 to %scan3A_6 step %scan3A_7 iter_args(%scan3A_44 = %scan3A) -> (i32)  : i32 {
      %swap3A = arith.index_cast %scan3A_43 : i32 to index
      %swap3A_45 = arith.constant 0 : index
      %swap3A_46 = tpu.vector_load %arg11[%swap3A, %swap3A_45] {strides = array<i32>} : memref<128x128xf32, #tpu.memory_space<vmem>>, vector<16xf32>,
      tpu.vector_store %arg11[%swap3A, %swap3A_45], %broadcast_in_dim3A_3 {strides = array<i32>} : memref<128x128xf32, #tpu.memory_space<vmem>>, vector<16xf32>,
      %swap3A_47 = arith.index_cast %scan3A_43 : i32 to index
      %swap3A_48 = arith.constant 16 : index
      %swap3A_49 = tpu.vector_load %arg11[%swap3A_47, %swap3A_48] {strides = array<i32>} : memref<128x128xf32, #tpu.memory_space<vmem>>, vector<16xf32>,
      tpu.vector_store %arg11[%swap3A_47, %swap3A_48], %broadcast_in_dim3A_3 {strides = array<i32>} : memref<128x128xf32, #tpu.memory_space<vmem>>, vector<16xf32>,
      %swap3A_50 = arith.index_cast %scan3A_43 : i32 to index
      %swap3A_51 = arith.constant 32 : index
      %swap3A_52 = tpu.vector_load %arg11[%swap3A_50, %swap3A_51] {strides = array<i32>} : memref<128x128xf32, #tpu.memory_space<vmem>>, vector<16xf32>,
      tpu.vector_store %arg11[%swap3A_50, %swap3A_51], %broadcast_in_dim3A_3 {strides = array<i32>} : memref<128x128xf32, #tpu.memory_space<vmem>>, vector<16xf32>,
      %swap3A_53 = arith.index_cast %scan3A_43 : i32 to index
      %swap3A_54 = arith.constant 48 : index
      %swap3A_55 = tpu.vector_load %arg11[%swap3A_53, %swap3A_54] {strides = array<i32>} : memref<128x128xf32, #tpu.memory_space<vmem>>, vector<16xf32>,
      tpu.vector_store %arg11[%swap3A_53, %swap3A_54], %broadcast_in_dim3A_3 {strides = array<i32>} : memref<128x128xf32, #tpu.memory_space<vmem>>, vector<16xf32>,
      %swap3A_56 = arith.index_cast %scan3A_43 : i32 to index
      %swap3A_57 = arith.constant 64 : index
      %swap3A_58 = tpu.vector_load %arg11[%swap3A_56, %swap3A_57] {strides = array<i32>} : memref<128x128xf32, #tpu.memory_space<vmem>>, vector<16xf32>,
      tpu.vector_store %arg11[%swap3A_56, %swap3A_57], %broadcast_in_dim3A_3 {strides = array<i32>} : memref<128x128xf32, #tpu.memory_space<vmem>>, vector<16xf32>,
      %swap3A_59 = arith.index_cast %scan3A_43 : i32 to index
      %swap3A_60 = arith.constant 80 : index
      %swap3A_61 = tpu.vector_load %arg11[%swap3A_59, %swap3A_60] {strides = array<i32>} : memref<128x128xf32, #tpu.memory_space<vmem>>, vector<16xf32>,
      tpu.vector_store %arg11[%swap3A_59, %swap3A_60], %broadcast_in_dim3A_3 {strides = array<i32>} : memref<128x128xf32, #tpu.memory_space<vmem>>, vector<16xf32>,
      %swap3A_62 = arith.index_cast %scan3A_43 : i32 to index
      %swap3A_63 = arith.constant 96 : index
      %swap3A_64 = tpu.vector_load %arg11[%swap3A_62, %swap3A_63] {strides = array<i32>} : memref<128x128xf32, #tpu.memory_space<vmem>>, vector<16xf32>,
      tpu.vector_store %arg11[%swap3A_62, %swap3A_63], %broadcast_in_dim3A_3 {strides = array<i32>} : memref<128x128xf32, #tpu.memory_space<vmem>>, vector<16xf32>,
      %swap3A_65 = arith.index_cast %scan3A_43 : i32 to index
      %swap3A_66 = arith.constant 112 : index
      %swap3A_67 = tpu.vector_load %arg11[%swap3A_65, %swap3A_66] {strides = array<i32>} : memref<128x128xf32, #tpu.memory_space<vmem>>, vector<16xf32>,
      tpu.vector_store %arg11[%swap3A_65, %swap3A_66], %broadcast_in_dim3A_3 {strides = array<i32>} : memref<128x128xf32, #tpu.memory_space<vmem>>, vector<16xf32>,
      %scan3A_68 = arith.constant 0 : i32
      scf.yield %scan3A_68 : i32
    }
    %scan3A_9 = arith.constant 104 : i32
    %scan3A_10 = arith.constant 0 : i32
    %scan3A_11 = arith.constant 0 : i32
    %scan3A_12 = arith.constant 6 : i32
    %scan3A_13 = arith.addi %scan3A_11, %scan3A_12 : i32
    %scan3A_14 = arith.constant 1 : i32
    %scan3A_15 = scf.for %scan3A_43 = %scan3A_11 to %scan3A_13 step %scan3A_14 iter_args(%scan3A_44 = %scan3A_10) -> (i32)  : i32 {
      %mul3A_45 = arith.constant 624 : i32
      %mul3A_46 = arith.muli %arg1, %mul3A_45 : i32
      %mul3A_47 = arith.constant 104 : i32
      %mul3A_48 = arith.muli %scan3A_43, %mul3A_47 : i32
      %add3A_49 = arith.addi %mul3A_46, %mul3A_48 : i32
      "tpu.region"() ({
        %run_scoped3A = tpu.sem_alloc : memref<!tpu.dma_semaphore, #tpu.memory_space<semaphore_mem>>
        %dma_start3A = arith.constant 0 : i32
        %dma_start3A_51 = arith.constant 0 : i32
        %dma_start3A_52 = tpu.memref_slice %arg11[%dma_start3A, %dma_start3A_51] : memref<128x128xf32, #tpu.memory_space<vmem>> -> memref<104x128xf32, #tpu.memory_space<vmem>>
        %dma_start3A_53 = arith.constant 0 : i32
        %dma_start3A_54 = tpu.memref_slice %arg19[%add3A_49, %dma_start3A_53] : memref<10000x128xf32, #tpu.memory_space<vmem_shared>> -> memref<104x128xf32, #tpu.memory_space<vmem_shared>>
        %dma_start3A_55 = arith.constant 0 : i32
        %dma_start3A_56 = tpu.memref_slice %arg19[%add3A_49, %dma_start3A_55] : memref<10000x128xf32, #tpu.memory_space<vmem_shared>> -> memref<104x128xf32, #tpu.memory_space<vmem_shared>>
        %dma_start3A_57 = arith.constant 0 : i32
        %dma_start3A_58 = arith.constant 0 : i32
        %dma_start3A_59 = tpu.memref_slice %arg11[%dma_start3A_57, %dma_start3A_58] : memref<128x128xf32, #tpu.memory_space<vmem>> -> memref<104x128xf32, #tpu.memory_space<vmem>>
        tpu.enqueue_dma source(%dma_start3A_59 : memref<104x128xf32, #tpu.memory_space<vmem>>) target(%dma_start3A_56 : memref<104x128xf32, #tpu.memory_space<vmem_shared>>) target_semaphore(%run_scoped3A : memref<!tpu.dma_semaphore, #tpu.memory_space<semaphore_mem>>)
        %dma_wait3A = arith.constant 0 : i32
        %dma_wait3A_60 = arith.constant 0 : i32
        %dma_wait3A_61 = tpu.memref_slice %arg11[%dma_wait3A, %dma_wait3A_60] : memref<128x128xf32, #tpu.memory_space<vmem>> -> memref<104x128xf32, #tpu.memory_space<vmem>>
        %dma_wait3A_62 = arith.constant 0 : i32
        %dma_wait3A_63 = tpu.memref_slice %arg19[%add3A_49, %dma_wait3A_62] : memref<10000x128xf32, #tpu.memory_space<vmem_shared>> -> memref<104x128xf32, #tpu.memory_space<vmem_shared>>
        %dma_wait3A_64 = arith.constant 0 : i32
        %dma_wait3A_65 = tpu.memref_slice %arg19[%add3A_49, %dma_wait3A_64] : memref<10000x128xf32, #tpu.memory_space<vmem_shared>> -> memref<104x128xf32, #tpu.memory_space<vmem_shared>>
        %dma_wait3A_66 = arith.constant 0 : i32
        %dma_wait3A_67 = arith.constant 0 : i32
        %dma_wait3A_68 = tpu.memref_slice %arg11[%dma_wait3A_66, %dma_wait3A_67] : memref<128x128xf32, #tpu.memory_space<vmem>> -> memref<104x128xf32, #tpu.memory_space<vmem>>
        tpu.wait_dma2 semaphore(%run_scoped3A : memref<!tpu.dma_semaphore, #tpu.memory_space<semaphore_mem>>) src(%dma_wait3A_68 : memref<104x128xf32, #tpu.memory_space<vmem>>) dst(%dma_wait3A_65 : memref<104x128xf32, #tpu.memory_space<vmem_shared>>)
        tpu.yield
      }) : () -> ()
      %scan3A_50 = arith.constant 0 : i32
      scf.yield %scan3A_50 : i32
    }
    %scan3A_16 = arith.constant 6 : i32
    %eq3A = arith.constant 0 : i32
    %eq3A_17 = arith.cmpi eq, %arg1, %eq3A : i32
    %convert_element_type3A = arith.extui %eq3A_17 : i1 to i32
    %cond3A = arith.constant 0 : i32
    %cond3A_18 = arith.cmpi ne, %convert_element_type3A, %cond3A : i32
    scf.if %cond3A_18 {
      "tpu.region"() ({
        %run_scoped3A = tpu.sem_alloc : memref<!tpu.dma_semaphore, #tpu.memory_space<semaphore_mem>>
        %dma_start3A = arith.constant 0 : i32
        %dma_start3A_43 = arith.constant 0 : i32
        %dma_start3A_44 = tpu.memref_slice %arg11[%dma_start3A, %dma_start3A_43] : memref<128x128xf32, #tpu.memory_space<vmem>> -> memref<16x128xf32, #tpu.memory_space<vmem>>
        %dma_start3A_45 = arith.constant 9984 : i32
        %dma_start3A_46 = arith.constant 0 : i32
        %dma_start3A_47 = tpu.memref_slice %arg19[%dma_start3A_45, %dma_start3A_46] : memref<10000x128xf32, #tpu.memory_space<vmem_shared>> -> memref<16x128xf32, #tpu.memory_space<vmem_shared>>
        %dma_start3A_48 = arith.constant 9984 : i32
        %dma_start3A_49 = arith.constant 0 : i32
        %dma_start3A_50 = tpu.memref_slice %arg19[%dma_start3A_48, %dma_start3A_49] : memref<10000x128xf32, #tpu.memory_space<vmem_shared>> -> memref<16x128xf32, #tpu.memory_space<vmem_shared>>
        %dma_start3A_51 = arith.constant 0 : i32
        %dma_start3A_52 = arith.constant 0 : i32
        %dma_start3A_53 = tpu.memref_slice %arg11[%dma_start3A_51, %dma_start3A_52] : memref<128x128xf32, #tpu.memory_space<vmem>> -> memref<16x128xf32, #tpu.memory_space<vmem>>
        tpu.enqueue_dma source(%dma_start3A_53 : memref<16x128xf32, #tpu.memory_space<vmem>>) target(%dma_start3A_50 : memref<16x128xf32, #tpu.memory_space<vmem_shared>>) target_semaphore(%run_scoped3A : memref<!tpu.dma_semaphore, #tpu.memory_space<semaphore_mem>>)
        %dma_wait3A = arith.constant 0 : i32
        %dma_wait3A_54 = arith.constant 0 : i32
        %dma_wait3A_55 = tpu.memref_slice %arg11[%dma_wait3A, %dma_wait3A_54] : memref<128x128xf32, #tpu.memory_space<vmem>> -> memref<16x128xf32, #tpu.memory_space<vmem>>
        %dma_wait3A_56 = arith.constant 9984 : i32
        %dma_wait3A_57 = arith.constant 0 : i32
        %dma_wait3A_58 = tpu.memref_slice %arg19[%dma_wait3A_56, %dma_wait3A_57] : memref<10000x128xf32, #tpu.memory_space<vmem_shared>> -> memref<16x128xf32, #tpu.memory_space<vmem_shared>>
        %dma_wait3A_59 = arith.constant 9984 : i32
        %dma_wait3A_60 = arith.constant 0 : i32
        %dma_wait3A_61 = tpu.memref_slice %arg19[%dma_wait3A_59, %dma_wait3A_60] : memref<10000x128xf32, #tpu.memory_space<vmem_shared>> -> memref<16x128xf32, #tpu.memory_space<vmem_shared>>
        %dma_wait3A_62 = arith.constant 0 : i32
        %dma_wait3A_63 = arith.constant 0 : i32
        %dma_wait3A_64 = tpu.memref_slice %arg11[%dma_wait3A_62, %dma_wait3A_63] : memref<128x128xf32, #tpu.memory_space<vmem>> -> memref<16x128xf32, #tpu.memory_space<vmem>>
        tpu.wait_dma2 semaphore(%run_scoped3A : memref<!tpu.dma_semaphore, #tpu.memory_space<semaphore_mem>>) src(%dma_wait3A_64 : memref<16x128xf32, #tpu.memory_space<vmem>>) dst(%dma_wait3A_61 : memref<16x128xf32, #tpu.memory_space<vmem_shared>>)
        tpu.yield
      }) : () -> ()
    } else {
    }
    %scan3A_19 = arith.constant 0 : i32
    %scan3A_20 = arith.constant 0 : i32
    %scan3A_21 = arith.constant 625 : i32
    %scan3A_22 = arith.addi %scan3A_20, %scan3A_21 : i32
    %scan3A_23 = arith.constant 1 : i32
    %scan3A_24 = scf.for %scan3A_43 = %scan3A_20 to %scan3A_22 step %scan3A_23 iter_args(%scan3A_44 = %scan3A_19) -> (i32)  : i32 {
      %mul3A_45 = arith.constant 16 : i32
      %mul3A_46 = arith.muli %scan3A_43, %mul3A_45 : i32
      %swap3A = arith.index_cast %mul3A_46 : i32 to index
      %swap3A_47 = tpu.vector_load %arg10[%swap3A] {strides = array<i32>} : memref<10000xf32, #tpu.memory_space<vmem>>, vector<16xf32>,
      tpu.vector_store %arg10[%swap3A], %broadcast_in_dim3A_3 {strides = array<i32>} : memref<10000xf32, #tpu.memory_space<vmem>>, vector<16xf32>,
      %scan3A_48 = arith.constant 0 : i32
      scf.yield %scan3A_48 : i32
    }
    %scan3A_25 = arith.constant 625 : i32
    %barrier3A = arith.constant 0 : index
    tpu.barrier barrier_id(%barrier3A)
    %scan3A_26 = arith.constant 0 : i32
    %scan3A_27 = arith.constant 0 : i32
    %scan3A_28 = arith.constant 81 : i32
    %scan3A_29 = arith.addi %scan3A_27, %scan3A_28 : i32
    %scan3A_30 = arith.constant 1 : i32
    %scan3A_31 = scf.for %scan3A_43 = %scan3A_27 to %scan3A_29 step %scan3A_30 iter_args(%scan3A_44 = %scan3A_26) -> (i32)  : i32 {
      %mul3A_45 = arith.constant 128 : i32
      %mul3A_46 = arith.muli %scan3A_43, %mul3A_45 : i32
      %add3A_47 = arith.addi %mul3A_2, %mul3A_46 : i32
      "tpu.region"() ({
        %run_scoped3A = tpu.sem_alloc : memref<!tpu.dma_semaphore, #tpu.memory_space<semaphore_mem>>
        %dma_start3A_322 = tpu.memref_slice %arg4[%add3A_47] : memref<331776xi32, #tpu.memory_space<hbm>> -> memref<128xi32, #tpu.memory_space<hbm>>
        %dma_start3A_323 = tpu.memref_slice %arg4[%add3A_47] : memref<331776xi32, #tpu.memory_space<hbm>> -> memref<128xi32, #tpu.memory_space<hbm>>
        tpu.enqueue_dma source(%dma_start3A_323 : memref<128xi32, #tpu.memory_space<hbm>>) target(%arg12 : memref<128xi32, #tpu.memory_space<vmem>>) target_semaphore(%run_scoped3A : memref<!tpu.dma_semaphore, #tpu.memory_space<semaphore_mem>>)
        %dma_wait3A_324 = tpu.memref_slice %arg4[%add3A_47] : memref<331776xi32, #tpu.memory_space<hbm>> -> memref<128xi32, #tpu.memory_space<hbm>>
        %dma_wait3A_325 = tpu.memref_slice %arg4[%add3A_47] : memref<331776xi32, #tpu.memory_space<hbm>> -> memref<128xi32, #tpu.memory_space<hbm>>
        tpu.wait_dma2 semaphore(%run_scoped3A : memref<!tpu.dma_semaphore, #tpu.memory_space<semaphore_mem>>) src(%dma_wait3A_325 : memref<128xi32, #tpu.memory_space<hbm>>) dst(%arg12 : memref<128xi32, #tpu.memory_space<vmem>>)
        tpu.yield
      }) : () -> ()
      %dma_start3A = arith.constant 0 : i32
      %dma_start3A_48 = tpu.memref_slice %arg2[%dma_start3A] : memref<10000xf32, #tpu.memory_space<hbm>> -> memref<10000xf32, #tpu.memory_space<hbm>>
      tpu.enqueue_indirect_dma source(%dma_start3A_48 : memref<10000xf32, #tpu.memory_space<hbm>>) target(%arg13 : memref<128xf32, #tpu.memory_space<vmem>>) offsets(%arg12 : memref<128xi32, #tpu.memory_space<vmem>>) semaphore(%arg16 : memref<!tpu.dma_semaphore, #tpu.memory_space<semaphore_mem>>)
      %dma_start3A_49 = arith.constant 0 : i32
      %dma_start3A_50 = tpu.memref_slice %arg9[%scan3A_43, %dma_start3A_49] : memref<81x128xi32, #tpu.memory_space<vmem>> -> memref<1x128xi32, #tpu.memory_space<vmem>>
      %dma_start3A_51 = tpu.memref_squeeze %dma_start3A_50 : memref<1x128xi32, #tpu.memory_space<vmem>> -> memref<128xi32, #tpu.memory_space<vmem>>
      %dma_start3A_52 = arith.constant 0 : i32
      %dma_start3A_53 = tpu.memref_slice %arg3[%dma_start3A_52] : memref<10000xf32, #tpu.memory_space<hbm>> -> memref<10000xf32, #tpu.memory_space<hbm>>
      tpu.enqueue_indirect_dma source(%dma_start3A_53 : memref<10000xf32, #tpu.memory_space<hbm>>) target(%arg14 : memref<128xf32, #tpu.memory_space<vmem>>) offsets(%dma_start3A_51 : memref<128xi32, #tpu.memory_space<vmem>>) semaphore(%arg17 : memref<!tpu.dma_semaphore, #tpu.memory_space<semaphore_mem>>)
      %dma_start3A_54 = arith.constant 0 : i32
      %dma_start3A_55 = arith.constant 0 : i32
      %dma_start3A_56 = tpu.memref_slice %arg6[%dma_start3A_54, %dma_start3A_55] : memref<10000x128xf32, #tpu.memory_space<hbm>> -> memref<10000x128xf32, #tpu.memory_space<hbm>>
      tpu.enqueue_indirect_dma source(%dma_start3A_56 : memref<10000x128xf32, #tpu.memory_space<hbm>>) target(%arg11 : memref<128x128xf32, #tpu.memory_space<vmem>>) offsets(%arg12 : memref<128xi32, #tpu.memory_space<vmem>>) semaphore(%arg18 : memref<!tpu.dma_semaphore, #tpu.memory_space<semaphore_mem>>)
      %dma_wait3A = arith.constant 0 : i32
      %dma_wait3A_57 = tpu.memref_slice %arg2[%dma_wait3A] : memref<10000xf32, #tpu.memory_space<hbm>> -> memref<10000xf32, #tpu.memory_space<hbm>>
      tpu.wait_indirect_dma semaphore(%arg16 : memref<!tpu.dma_semaphore, #tpu.memory_space<semaphore_mem>>) src(%dma_wait3A_57 : memref<10000xf32, #tpu.memory_space<hbm>>) dst(%arg13 : memref<128xf32, #tpu.memory_space<vmem>>)
      %dma_wait3A_58 = arith.constant 0 : i32
      %dma_wait3A_59 = tpu.memref_slice %arg9[%scan3A_43, %dma_wait3A_58] : memref<81x128xi32, #tpu.memory_space<vmem>> -> memref<1x128xi32, #tpu.memory_space<vmem>>
      %dma_wait3A_60 = tpu.memref_squeeze %dma_wait3A_59 : memref<1x128xi32, #tpu.memory_space<vmem>> -> memref<128xi32, #tpu.memory_space<vmem>>
      %dma_wait3A_61 = arith.constant 0 : i32
      %dma_wait3A_62 = tpu.memref_slice %arg3[%dma_wait3A_61] : memref<10000xf32, #tpu.memory_space<hbm>> -> memref<10000xf32, #tpu.memory_space<hbm>>
      tpu.wait_indirect_dma semaphore(%arg17 : memref<!tpu.dma_semaphore, #tpu.memory_space<semaphore_mem>>) src(%dma_wait3A_62 : memref<10000xf32, #tpu.memory_space<hbm>>) dst(%arg14 : memref<128xf32, #tpu.memory_space<vmem>>)
      %get3A = arith.constant 0 : index
      %get3A_63 = tpu.vector_load %arg13[%get3A] {strides = array<i32>} : memref<128xf32, #tpu.memory_space<vmem>>, vector<16xf32>,
      %get3A_64 = arith.constant 0 : index
      %get3A_65 = tpu.vector_load %arg14[%get3A_64] {strides = array<i32>} : memref<128xf32, #tpu.memory_space<vmem>>, vector<16xf32>,
      %add3A_66 = arith.addf %get3A_63, %get3A_65 : vector<16xf32>
      %gt3A = arith.constant 0.000000e+00 : f32
      %gt3A_67 = vector.broadcast %gt3A : f32 to vector<16xf32>
      %gt3A_68 = arith.cmpf ogt, %add3A_66, %gt3A_67 : vector<16xf32>
      %mul3A_69 = arith.constant 2.000000e-01 : f32
      %mul3A_70 = vector.broadcast %mul3A_69 : f32 to vector<16xf32>
      %mul3A_71 = arith.mulf %mul3A_70, %add3A_66 : vector<16xf32>
      %select_n3A = arith.select %gt3A_68, %add3A_66, %mul3A_71 : vector<16xi1>, vector<16xf32>
      %mul3A_72 = arith.constant 128 : i32
      %mul3A_73 = arith.muli %scan3A_43, %mul3A_72 : i32
      %add3A_74 = arith.addi %mul3A_2, %mul3A_73 : i32
      %add3A_75 = arith.constant 0 : i32
      %add3A_76 = arith.addi %add3A_74, %add3A_75 : i32
      %iota3A = tpu.iota {dimensions = array<i32: 0>} : vector<16xi32>
      %add3A_77 = vector.broadcast %add3A_76 : i32 to vector<16xi32>
      %add3A_78 = arith.addi %add3A_77, %iota3A : vector<16xi32>
      %lt3A = arith.constant 330000 : i32
      %lt3A_79 = vector.broadcast %lt3A : i32 to vector<16xi32>
      %lt3A_80 = arith.cmpi slt, %add3A_78, %lt3A_79 : vector<16xi32>
      %exp3A = math.exp %select_n3A : vector<16xf32>
      %jit3A = arith.constant 0.000000e+00 : f32
      %broadcast_in_dim3A_81 = vector.broadcast %jit3A : f32 to vector<16xf32>
      %select_n3A_82 = arith.select %lt3A_80, %exp3A, %broadcast_in_dim3A_81 : vector<16xi1>, vector<16xf32>
      %swap3A = arith.constant 0 : index
      %swap3A_83 = tpu.vector_load %arg15[%swap3A] {strides = array<i32>} : memref<128xf32, #tpu.memory_space<vmem>>, vector<16xf32>,
      tpu.vector_store %arg15[%swap3A], %select_n3A_82 {strides = array<i32>} : memref<128xf32, #tpu.memory_space<vmem>>, vector<16xf32>,
      %get3A_84 = arith.index_cast %scan3A_43 : i32 to index
      %get3A_85 = arith.constant 0 : index
      %get3A_86 = tpu.vector_load %arg9[%get3A_84, %get3A_85] {strides = array<i32>} : memref<81x128xi32, #tpu.memory_space<vmem>>, vector<16xi32>,
      tpu.vector_store_idx %arg10[%get3A_86], %select_n3A_82 {add = true} : memref<10000xf32, #tpu.memory_space<vmem>>[vector<16xi32>], vector<16xf32>,
      %get3A_87 = arith.constant 16 : index
      %get3A_88 = tpu.vector_load %arg13[%get3A_87] {strides = array<i32>} : memref<128xf32, #tpu.memory_space<vmem>>, vector<16xf32>,
      %get3A_89 = arith.constant 16 : index
      %get3A_90 = tpu.vector_load %arg14[%get3A_89] {strides = array<i32>} : memref<128xf32, #tpu.memory_space<vmem>>, vector<16xf32>,
      %add3A_91 = arith.addf %get3A_88, %get3A_90 : vector<16xf32>
      %gt3A_92 = arith.constant 0.000000e+00 : f32
      %gt3A_93 = vector.broadcast %gt3A_92 : f32 to vector<16xf32>
      %gt3A_94 = arith.cmpf ogt, %add3A_91, %gt3A_93 : vector<16xf32>
      %mul3A_95 = arith.constant 2.000000e-01 : f32
      %mul3A_96 = vector.broadcast %mul3A_95 : f32 to vector<16xf32>
      %mul3A_97 = arith.mulf %mul3A_96, %add3A_91 : vector<16xf32>
      %select_n3A_98 = arith.select %gt3A_94, %add3A_91, %mul3A_97 : vector<16xi1>, vector<16xf32>
      %mul3A_99 = arith.constant 128 : i32
      %mul3A_100 = arith.muli %scan3A_43, %mul3A_99 : i32
      %add3A_101 = arith.addi %mul3A_2, %mul3A_100 : i32
      %add3A_102 = arith.constant 16 : i32
      %add3A_103 = arith.addi %add3A_101, %add3A_102 : i32
      %iota3A_104 = tpu.iota {dimensions = array<i32: 0>} : vector<16xi32>
      %add3A_105 = vector.broadcast %add3A_103 : i32 to vector<16xi32>
      %add3A_106 = arith.addi %add3A_105, %iota3A_104 : vector<16xi32>
      %lt3A_107 = arith.constant 330000 : i32
      %lt3A_108 = vector.broadcast %lt3A_107 : i32 to vector<16xi32>
      %lt3A_109 = arith.cmpi slt, %add3A_106, %lt3A_108 : vector<16xi32>
      %exp3A_110 = math.exp %select_n3A_98 : vector<16xf32>
      %jit3A_111 = arith.constant 0.000000e+00 : f32
      %broadcast_in_dim3A_112 = vector.broadcast %jit3A_111 : f32 to vector<16xf32>
      %select_n3A_113 = arith.select %lt3A_109, %exp3A_110, %broadcast_in_dim3A_112 : vector<16xi1>, vector<16xf32>
      %swap3A_114 = arith.constant 16 : index
      %swap3A_115 = tpu.vector_load %arg15[%swap3A_114] {strides = array<i32>} : memref<128xf32, #tpu.memory_space<vmem>>, vector<16xf32>,
      tpu.vector_store %arg15[%swap3A_114], %select_n3A_113 {strides = array<i32>} : memref<128xf32, #tpu.memory_space<vmem>>, vector<16xf32>,
      %get3A_116 = arith.index_cast %scan3A_43 : i32 to index
      %get3A_117 = arith.constant 16 : index
      %get3A_118 = tpu.vector_load %arg9[%get3A_116, %get3A_117] {strides = array<i32>} : memref<81x128xi32, #tpu.memory_space<vmem>>, vector<16xi32>,
      tpu.vector_store_idx %arg10[%get3A_118], %select_n3A_113 {add = true} : memref<10000xf32, #tpu.memory_space<vmem>>[vector<16xi32>], vector<16xf32>,
      %get3A_119 = arith.constant 32 : index
      %get3A_120 = tpu.vector_load %arg13[%get3A_119] {strides = array<i32>} : memref<128xf32, #tpu.memory_space<vmem>>, vector<16xf32>,
      %get3A_121 = arith.constant 32 : index
      %get3A_122 = tpu.vector_load %arg14[%get3A_121] {strides = array<i32>} : memref<128xf32, #tpu.memory_space<vmem>>, vector<16xf32>,
      %add3A_123 = arith.addf %get3A_120, %get3A_122 : vector<16xf32>
      %gt3A_124 = arith.constant 0.000000e+00 : f32
      %gt3A_125 = vector.broadcast %gt3A_124 : f32 to vector<16xf32>
      %gt3A_126 = arith.cmpf ogt, %add3A_123, %gt3A_125 : vector<16xf32>
      %mul3A_127 = arith.constant 2.000000e-01 : f32
      %mul3A_128 = vector.broadcast %mul3A_127 : f32 to vector<16xf32>
      %mul3A_129 = arith.mulf %mul3A_128, %add3A_123 : vector<16xf32>
      %select_n3A_130 = arith.select %gt3A_126, %add3A_123, %mul3A_129 : vector<16xi1>, vector<16xf32>
      %mul3A_131 = arith.constant 128 : i32
      %mul3A_132 = arith.muli %scan3A_43, %mul3A_131 : i32
      %add3A_133 = arith.addi %mul3A_2, %mul3A_132 : i32
      %add3A_134 = arith.constant 32 : i32
      %add3A_135 = arith.addi %add3A_133, %add3A_134 : i32
      %iota3A_136 = tpu.iota {dimensions = array<i32: 0>} : vector<16xi32>
      %add3A_137 = vector.broadcast %add3A_135 : i32 to vector<16xi32>
      %add3A_138 = arith.addi %add3A_137, %iota3A_136 : vector<16xi32>
      %lt3A_139 = arith.constant 330000 : i32
      %lt3A_140 = vector.broadcast %lt3A_139 : i32 to vector<16xi32>
      %lt3A_141 = arith.cmpi slt, %add3A_138, %lt3A_140 : vector<16xi32>
      %exp3A_142 = math.exp %select_n3A_130 : vector<16xf32>
      %jit3A_143 = arith.constant 0.000000e+00 : f32
      %broadcast_in_dim3A_144 = vector.broadcast %jit3A_143 : f32 to vector<16xf32>
      %select_n3A_145 = arith.select %lt3A_141, %exp3A_142, %broadcast_in_dim3A_144 : vector<16xi1>, vector<16xf32>
      %swap3A_146 = arith.constant 32 : index
      %swap3A_147 = tpu.vector_load %arg15[%swap3A_146] {strides = array<i32>} : memref<128xf32, #tpu.memory_space<vmem>>, vector<16xf32>,
      tpu.vector_store %arg15[%swap3A_146], %select_n3A_145 {strides = array<i32>} : memref<128xf32, #tpu.memory_space<vmem>>, vector<16xf32>,
      %get3A_148 = arith.index_cast %scan3A_43 : i32 to index
      %get3A_149 = arith.constant 32 : index
      %get3A_150 = tpu.vector_load %arg9[%get3A_148, %get3A_149] {strides = array<i32>} : memref<81x128xi32, #tpu.memory_space<vmem>>, vector<16xi32>,
      tpu.vector_store_idx %arg10[%get3A_150], %select_n3A_145 {add = true} : memref<10000xf32, #tpu.memory_space<vmem>>[vector<16xi32>], vector<16xf32>,
      %get3A_151 = arith.constant 48 : index
      %get3A_152 = tpu.vector_load %arg13[%get3A_151] {strides = array<i32>} : memref<128xf32, #tpu.memory_space<vmem>>, vector<16xf32>,
      %get3A_153 = arith.constant 48 : index
      %get3A_154 = tpu.vector_load %arg14[%get3A_153] {strides = array<i32>} : memref<128xf32, #tpu.memory_space<vmem>>, vector<16xf32>,
      %add3A_155 = arith.addf %get3A_152, %get3A_154 : vector<16xf32>
      %gt3A_156 = arith.constant 0.000000e+00 : f32
      %gt3A_157 = vector.broadcast %gt3A_156 : f32 to vector<16xf32>
      %gt3A_158 = arith.cmpf ogt, %add3A_155, %gt3A_157 : vector<16xf32>
      %mul3A_159 = arith.constant 2.000000e-01 : f32
      %mul3A_160 = vector.broadcast %mul3A_159 : f32 to vector<16xf32>
      %mul3A_161 = arith.mulf %mul3A_160, %add3A_155 : vector<16xf32>
      %select_n3A_162 = arith.select %gt3A_158, %add3A_155, %mul3A_161 : vector<16xi1>, vector<16xf32>
      %mul3A_163 = arith.constant 128 : i32
      %mul3A_164 = arith.muli %scan3A_43, %mul3A_163 : i32
      %add3A_165 = arith.addi %mul3A_2, %mul3A_164 : i32
      %add3A_166 = arith.constant 48 : i32
      %add3A_167 = arith.addi %add3A_165, %add3A_166 : i32
      %iota3A_168 = tpu.iota {dimensions = array<i32: 0>} : vector<16xi32>
      %add3A_169 = vector.broadcast %add3A_167 : i32 to vector<16xi32>
      %add3A_170 = arith.addi %add3A_169, %iota3A_168 : vector<16xi32>
      %lt3A_171 = arith.constant 330000 : i32
      %lt3A_172 = vector.broadcast %lt3A_171 : i32 to vector<16xi32>
      %lt3A_173 = arith.cmpi slt, %add3A_170, %lt3A_172 : vector<16xi32>
      %exp3A_174 = math.exp %select_n3A_162 : vector<16xf32>
      %jit3A_175 = arith.constant 0.000000e+00 : f32
      %broadcast_in_dim3A_176 = vector.broadcast %jit3A_175 : f32 to vector<16xf32>
      %select_n3A_177 = arith.select %lt3A_173, %exp3A_174, %broadcast_in_dim3A_176 : vector<16xi1>, vector<16xf32>
      %swap3A_178 = arith.constant 48 : index
      %swap3A_179 = tpu.vector_load %arg15[%swap3A_178] {strides = array<i32>} : memref<128xf32, #tpu.memory_space<vmem>>, vector<16xf32>,
      tpu.vector_store %arg15[%swap3A_178], %select_n3A_177 {strides = array<i32>} : memref<128xf32, #tpu.memory_space<vmem>>, vector<16xf32>,
      %get3A_180 = arith.index_cast %scan3A_43 : i32 to index
      %get3A_181 = arith.constant 48 : index
      %get3A_182 = tpu.vector_load %arg9[%get3A_180, %get3A_181] {strides = array<i32>} : memref<81x128xi32, #tpu.memory_space<vmem>>, vector<16xi32>,
      tpu.vector_store_idx %arg10[%get3A_182], %select_n3A_177 {add = true} : memref<10000xf32, #tpu.memory_space<vmem>>[vector<16xi32>], vector<16xf32>,
      %get3A_183 = arith.constant 64 : index
      %get3A_184 = tpu.vector_load %arg13[%get3A_183] {strides = array<i32>} : memref<128xf32, #tpu.memory_space<vmem>>, vector<16xf32>,
      %get3A_185 = arith.constant 64 : index
      %get3A_186 = tpu.vector_load %arg14[%get3A_185] {strides = array<i32>} : memref<128xf32, #tpu.memory_space<vmem>>, vector<16xf32>,
      %add3A_187 = arith.addf %get3A_184, %get3A_186 : vector<16xf32>
      %gt3A_188 = arith.constant 0.000000e+00 : f32
      %gt3A_189 = vector.broadcast %gt3A_188 : f32 to vector<16xf32>
      %gt3A_190 = arith.cmpf ogt, %add3A_187, %gt3A_189 : vector<16xf32>
      %mul3A_191 = arith.constant 2.000000e-01 : f32
      %mul3A_192 = vector.broadcast %mul3A_191 : f32 to vector<16xf32>
      %mul3A_193 = arith.mulf %mul3A_192, %add3A_187 : vector<16xf32>
      %select_n3A_194 = arith.select %gt3A_190, %add3A_187, %mul3A_193 : vector<16xi1>, vector<16xf32>
      %mul3A_195 = arith.constant 128 : i32
      %mul3A_196 = arith.muli %scan3A_43, %mul3A_195 : i32
      %add3A_197 = arith.addi %mul3A_2, %mul3A_196 : i32
      %add3A_198 = arith.constant 64 : i32
      %add3A_199 = arith.addi %add3A_197, %add3A_198 : i32
      %iota3A_200 = tpu.iota {dimensions = array<i32: 0>} : vector<16xi32>
      %add3A_201 = vector.broadcast %add3A_199 : i32 to vector<16xi32>
      %add3A_202 = arith.addi %add3A_201, %iota3A_200 : vector<16xi32>
      %lt3A_203 = arith.constant 330000 : i32
      %lt3A_204 = vector.broadcast %lt3A_203 : i32 to vector<16xi32>
      %lt3A_205 = arith.cmpi slt, %add3A_202, %lt3A_204 : vector<16xi32>
      %exp3A_206 = math.exp %select_n3A_194 : vector<16xf32>
      %jit3A_207 = arith.constant 0.000000e+00 : f32
      %broadcast_in_dim3A_208 = vector.broadcast %jit3A_207 : f32 to vector<16xf32>
      %select_n3A_209 = arith.select %lt3A_205, %exp3A_206, %broadcast_in_dim3A_208 : vector<16xi1>, vector<16xf32>
      %swap3A_210 = arith.constant 64 : index
      %swap3A_211 = tpu.vector_load %arg15[%swap3A_210] {strides = array<i32>} : memref<128xf32, #tpu.memory_space<vmem>>, vector<16xf32>,
      tpu.vector_store %arg15[%swap3A_210], %select_n3A_209 {strides = array<i32>} : memref<128xf32, #tpu.memory_space<vmem>>, vector<16xf32>,
      %get3A_212 = arith.index_cast %scan3A_43 : i32 to index
      %get3A_213 = arith.constant 64 : index
      %get3A_214 = tpu.vector_load %arg9[%get3A_212, %get3A_213] {strides = array<i32>} : memref<81x128xi32, #tpu.memory_space<vmem>>, vector<16xi32>,
      tpu.vector_store_idx %arg10[%get3A_214], %select_n3A_209 {add = true} : memref<10000xf32, #tpu.memory_space<vmem>>[vector<16xi32>], vector<16xf32>,
      %get3A_215 = arith.constant 80 : index
      %get3A_216 = tpu.vector_load %arg13[%get3A_215] {strides = array<i32>} : memref<128xf32, #tpu.memory_space<vmem>>, vector<16xf32>,
      %get3A_217 = arith.constant 80 : index
      %get3A_218 = tpu.vector_load %arg14[%get3A_217] {strides = array<i32>} : memref<128xf32, #tpu.memory_space<vmem>>, vector<16xf32>,
      %add3A_219 = arith.addf %get3A_216, %get3A_218 : vector<16xf32>
      %gt3A_220 = arith.constant 0.000000e+00 : f32
      %gt3A_221 = vector.broadcast %gt3A_220 : f32 to vector<16xf32>
      %gt3A_222 = arith.cmpf ogt, %add3A_219, %gt3A_221 : vector<16xf32>
      %mul3A_223 = arith.constant 2.000000e-01 : f32
      %mul3A_224 = vector.broadcast %mul3A_223 : f32 to vector<16xf32>
      %mul3A_225 = arith.mulf %mul3A_224, %add3A_219 : vector<16xf32>
      %select_n3A_226 = arith.select %gt3A_222, %add3A_219, %mul3A_225 : vector<16xi1>, vector<16xf32>
      %mul3A_227 = arith.constant 128 : i32
      %mul3A_228 = arith.muli %scan3A_43, %mul3A_227 : i32
      %add3A_229 = arith.addi %mul3A_2, %mul3A_228 : i32
      %add3A_230 = arith.constant 80 : i32
      %add3A_231 = arith.addi %add3A_229, %add3A_230 : i32
      %iota3A_232 = tpu.iota {dimensions = array<i32: 0>} : vector<16xi32>
      %add3A_233 = vector.broadcast %add3A_231 : i32 to vector<16xi32>
      %add3A_234 = arith.addi %add3A_233, %iota3A_232 : vector<16xi32>
      %lt3A_235 = arith.constant 330000 : i32
      %lt3A_236 = vector.broadcast %lt3A_235 : i32 to vector<16xi32>
      %lt3A_237 = arith.cmpi slt, %add3A_234, %lt3A_236 : vector<16xi32>
      %exp3A_238 = math.exp %select_n3A_226 : vector<16xf32>
      %jit3A_239 = arith.constant 0.000000e+00 : f32
      %broadcast_in_dim3A_240 = vector.broadcast %jit3A_239 : f32 to vector<16xf32>
      %select_n3A_241 = arith.select %lt3A_237, %exp3A_238, %broadcast_in_dim3A_240 : vector<16xi1>, vector<16xf32>
      %swap3A_242 = arith.constant 80 : index
      %swap3A_243 = tpu.vector_load %arg15[%swap3A_242] {strides = array<i32>} : memref<128xf32, #tpu.memory_space<vmem>>, vector<16xf32>,
      tpu.vector_store %arg15[%swap3A_242], %select_n3A_241 {strides = array<i32>} : memref<128xf32, #tpu.memory_space<vmem>>, vector<16xf32>,
      %get3A_244 = arith.index_cast %scan3A_43 : i32 to index
      %get3A_245 = arith.constant 80 : index
      %get3A_246 = tpu.vector_load %arg9[%get3A_244, %get3A_245] {strides = array<i32>} : memref<81x128xi32, #tpu.memory_space<vmem>>, vector<16xi32>,
      tpu.vector_store_idx %arg10[%get3A_246], %select_n3A_241 {add = true} : memref<10000xf32, #tpu.memory_space<vmem>>[vector<16xi32>], vector<16xf32>,
      %get3A_247 = arith.constant 96 : index
      %get3A_248 = tpu.vector_load %arg13[%get3A_247] {strides = array<i32>} : memref<128xf32, #tpu.memory_space<vmem>>, vector<16xf32>,
      %get3A_249 = arith.constant 96 : index
      %get3A_250 = tpu.vector_load %arg14[%get3A_249] {strides = array<i32>} : memref<128xf32, #tpu.memory_space<vmem>>, vector<16xf32>,
      %add3A_251 = arith.addf %get3A_248, %get3A_250 : vector<16xf32>
      %gt3A_252 = arith.constant 0.000000e+00 : f32
      %gt3A_253 = vector.broadcast %gt3A_252 : f32 to vector<16xf32>
      %gt3A_254 = arith.cmpf ogt, %add3A_251, %gt3A_253 : vector<16xf32>
      %mul3A_255 = arith.constant 2.000000e-01 : f32
      %mul3A_256 = vector.broadcast %mul3A_255 : f32 to vector<16xf32>
      %mul3A_257 = arith.mulf %mul3A_256, %add3A_251 : vector<16xf32>
      %select_n3A_258 = arith.select %gt3A_254, %add3A_251, %mul3A_257 : vector<16xi1>, vector<16xf32>
      %mul3A_259 = arith.constant 128 : i32
      %mul3A_260 = arith.muli %scan3A_43, %mul3A_259 : i32
      %add3A_261 = arith.addi %mul3A_2, %mul3A_260 : i32
      %add3A_262 = arith.constant 96 : i32
      %add3A_263 = arith.addi %add3A_261, %add3A_262 : i32
      %iota3A_264 = tpu.iota {dimensions = array<i32: 0>} : vector<16xi32>
      %add3A_265 = vector.broadcast %add3A_263 : i32 to vector<16xi32>
      %add3A_266 = arith.addi %add3A_265, %iota3A_264 : vector<16xi32>
      %lt3A_267 = arith.constant 330000 : i32
      %lt3A_268 = vector.broadcast %lt3A_267 : i32 to vector<16xi32>
      %lt3A_269 = arith.cmpi slt, %add3A_266, %lt3A_268 : vector<16xi32>
      %exp3A_270 = math.exp %select_n3A_258 : vector<16xf32>
      %jit3A_271 = arith.constant 0.000000e+00 : f32
      %broadcast_in_dim3A_272 = vector.broadcast %jit3A_271 : f32 to vector<16xf32>
      %select_n3A_273 = arith.select %lt3A_269, %exp3A_270, %broadcast_in_dim3A_272 : vector<16xi1>, vector<16xf32>
      %swap3A_274 = arith.constant 96 : index
      %swap3A_275 = tpu.vector_load %arg15[%swap3A_274] {strides = array<i32>} : memref<128xf32, #tpu.memory_space<vmem>>, vector<16xf32>,
      tpu.vector_store %arg15[%swap3A_274], %select_n3A_273 {strides = array<i32>} : memref<128xf32, #tpu.memory_space<vmem>>, vector<16xf32>,
      %get3A_276 = arith.index_cast %scan3A_43 : i32 to index
      %get3A_277 = arith.constant 96 : index
      %get3A_278 = tpu.vector_load %arg9[%get3A_276, %get3A_277] {strides = array<i32>} : memref<81x128xi32, #tpu.memory_space<vmem>>, vector<16xi32>,
      tpu.vector_store_idx %arg10[%get3A_278], %select_n3A_273 {add = true} : memref<10000xf32, #tpu.memory_space<vmem>>[vector<16xi32>], vector<16xf32>,
      %get3A_279 = arith.constant 112 : index
      %get3A_280 = tpu.vector_load %arg13[%get3A_279] {strides = array<i32>} : memref<128xf32, #tpu.memory_space<vmem>>, vector<16xf32>,
      %get3A_281 = arith.constant 112 : index
      %get3A_282 = tpu.vector_load %arg14[%get3A_281] {strides = array<i32>} : memref<128xf32, #tpu.memory_space<vmem>>, vector<16xf32>,
      %add3A_283 = arith.addf %get3A_280, %get3A_282 : vector<16xf32>
      %gt3A_284 = arith.constant 0.000000e+00 : f32
      %gt3A_285 = vector.broadcast %gt3A_284 : f32 to vector<16xf32>
      %gt3A_286 = arith.cmpf ogt, %add3A_283, %gt3A_285 : vector<16xf32>
      %mul3A_287 = arith.constant 2.000000e-01 : f32
      %mul3A_288 = vector.broadcast %mul3A_287 : f32 to vector<16xf32>
      %mul3A_289 = arith.mulf %mul3A_288, %add3A_283 : vector<16xf32>
      %select_n3A_290 = arith.select %gt3A_286, %add3A_283, %mul3A_289 : vector<16xi1>, vector<16xf32>
      %mul3A_291 = arith.constant 128 : i32
      %mul3A_292 = arith.muli %scan3A_43, %mul3A_291 : i32
      %add3A_293 = arith.addi %mul3A_2, %mul3A_292 : i32
      %add3A_294 = arith.constant 112 : i32
      %add3A_295 = arith.addi %add3A_293, %add3A_294 : i32
      %iota3A_296 = tpu.iota {dimensions = array<i32: 0>} : vector<16xi32>
      %add3A_297 = vector.broadcast %add3A_295 : i32 to vector<16xi32>
      %add3A_298 = arith.addi %add3A_297, %iota3A_296 : vector<16xi32>
      %lt3A_299 = arith.constant 330000 : i32
      %lt3A_300 = vector.broadcast %lt3A_299 : i32 to vector<16xi32>
      %lt3A_301 = arith.cmpi slt, %add3A_298, %lt3A_300 : vector<16xi32>
      %exp3A_302 = math.exp %select_n3A_290 : vector<16xf32>
      %jit3A_303 = arith.constant 0.000000e+00 : f32
      %broadcast_in_dim3A_304 = vector.broadcast %jit3A_303 : f32 to vector<16xf32>
      %select_n3A_305 = arith.select %lt3A_301, %exp3A_302, %broadcast_in_dim3A_304 : vector<16xi1>, vector<16xf32>
      %swap3A_306 = arith.constant 112 : index
      %swap3A_307 = tpu.vector_load %arg15[%swap3A_306] {strides = array<i32>} : memref<128xf32, #tpu.memory_space<vmem>>, vector<16xf32>,
      tpu.vector_store %arg15[%swap3A_306], %select_n3A_305 {strides = array<i32>} : memref<128xf32, #tpu.memory_space<vmem>>, vector<16xf32>,
      %get3A_308 = arith.index_cast %scan3A_43 : i32 to index
      %get3A_309 = arith.constant 112 : index
      %get3A_310 = tpu.vector_load %arg9[%get3A_308, %get3A_309] {strides = array<i32>} : memref<81x128xi32, #tpu.memory_space<vmem>>, vector<16xi32>,
      tpu.vector_store_idx %arg10[%get3A_310], %select_n3A_305 {add = true} : memref<10000xf32, #tpu.memory_space<vmem>>[vector<16xi32>], vector<16xf32>,
      %dma_wait3A_311 = arith.constant 0 : i32
      %dma_wait3A_312 = arith.constant 0 : i32
      %dma_wait3A_313 = tpu.memref_slice %arg6[%dma_wait3A_311, %dma_wait3A_312] : memref<10000x128xf32, #tpu.memory_space<hbm>> -> memref<10000x128xf32, #tpu.memory_space<hbm>>
      tpu.wait_indirect_dma semaphore(%arg18 : memref<!tpu.dma_semaphore, #tpu.memory_space<semaphore_mem>>) src(%dma_wait3A_313 : memref<10000x128xf32, #tpu.memory_space<hbm>>) dst(%arg11 : memref<128x128xf32, #tpu.memory_space<vmem>>)
      %scan3A_314 = arith.constant 0 : i32
      %scan3A_315 = arith.constant 0 : i32
      %scan3A_316 = arith.constant 128 : i32
      %scan3A_317 = arith.addi %scan3A_315, %scan3A_316 : i32
      %scan3A_318 = arith.constant 1 : i32
      %scan3A_319 = scf.for %scan3A_322 = %scan3A_315 to %scan3A_317 step %scan3A_318 iter_args(%scan3A_323 = %scan3A_314) -> (i32)  : i32 {
        %broadcast_in_dim3A_324 = vector.broadcast %scan3A_322 : i32 to vector<16xi32>
        %gather3A = tpu.vector_load_idx %arg15[%broadcast_in_dim3A_324] : memref<128xf32, #tpu.memory_space<vmem>>[vector<16xi32>], vector<16xf32>,
        %get3A_325 = arith.index_cast %scan3A_322 : i32 to index
        %get3A_326 = arith.constant 0 : index
        %get3A_327 = tpu.vector_load %arg11[%get3A_325, %get3A_326] {strides = array<i32>} : memref<128x128xf32, #tpu.memory_space<vmem>>, vector<16xf32>,
        %mul3A_328 = arith.mulf %get3A_327, %gather3A : vector<16xf32>
        %swap3A_329 = arith.index_cast %scan3A_322 : i32 to index
        %swap3A_330 = arith.constant 0 : index
        %swap3A_331 = tpu.vector_load %arg11[%swap3A_329, %swap3A_330] {strides = array<i32>} : memref<128x128xf32, #tpu.memory_space<vmem>>, vector<16xf32>,
        tpu.vector_store %arg11[%swap3A_329, %swap3A_330], %mul3A_328 {strides = array<i32>} : memref<128x128xf32, #tpu.memory_space<vmem>>, vector<16xf32>,
        %get3A_332 = arith.index_cast %scan3A_322 : i32 to index
        %get3A_333 = arith.constant 16 : index
        %get3A_334 = tpu.vector_load %arg11[%get3A_332, %get3A_333] {strides = array<i32>} : memref<128x128xf32, #tpu.memory_space<vmem>>, vector<16xf32>,
        %mul3A_335 = arith.mulf %get3A_334, %gather3A : vector<16xf32>
        %swap3A_336 = arith.index_cast %scan3A_322 : i32 to index
        %swap3A_337 = arith.constant 16 : index
        %swap3A_338 = tpu.vector_load %arg11[%swap3A_336, %swap3A_337] {strides = array<i32>} : memref<128x128xf32, #tpu.memory_space<vmem>>, vector<16xf32>,
        tpu.vector_store %arg11[%swap3A_336, %swap3A_337], %mul3A_335 {strides = array<i32>} : memref<128x128xf32, #tpu.memory_space<vmem>>, vector<16xf32>,
        %get3A_339 = arith.index_cast %scan3A_322 : i32 to index
        %get3A_340 = arith.constant 32 : index
        %get3A_341 = tpu.vector_load %arg11[%get3A_339, %get3A_340] {strides = array<i32>} : memref<128x128xf32, #tpu.memory_space<vmem>>, vector<16xf32>,
        %mul3A_342 = arith.mulf %get3A_341, %gather3A : vector<16xf32>
        %swap3A_343 = arith.index_cast %scan3A_322 : i32 to index
        %swap3A_344 = arith.constant 32 : index
        %swap3A_345 = tpu.vector_load %arg11[%swap3A_343, %swap3A_344] {strides = array<i32>} : memref<128x128xf32, #tpu.memory_space<vmem>>, vector<16xf32>,
        tpu.vector_store %arg11[%swap3A_343, %swap3A_344], %mul3A_342 {strides = array<i32>} : memref<128x128xf32, #tpu.memory_space<vmem>>, vector<16xf32>,
        %get3A_346 = arith.index_cast %scan3A_322 : i32 to index
        %get3A_347 = arith.constant 48 : index
        %get3A_348 = tpu.vector_load %arg11[%get3A_346, %get3A_347] {strides = array<i32>} : memref<128x128xf32, #tpu.memory_space<vmem>>, vector<16xf32>,
        %mul3A_349 = arith.mulf %get3A_348, %gather3A : vector<16xf32>
        %swap3A_350 = arith.index_cast %scan3A_322 : i32 to index
        %swap3A_351 = arith.constant 48 : index
        %swap3A_352 = tpu.vector_load %arg11[%swap3A_350, %swap3A_351] {strides = array<i32>} : memref<128x128xf32, #tpu.memory_space<vmem>>, vector<16xf32>,
        tpu.vector_store %arg11[%swap3A_350, %swap3A_351], %mul3A_349 {strides = array<i32>} : memref<128x128xf32, #tpu.memory_space<vmem>>, vector<16xf32>,
        %get3A_353 = arith.index_cast %scan3A_322 : i32 to index
        %get3A_354 = arith.constant 64 : index
        %get3A_355 = tpu.vector_load %arg11[%get3A_353, %get3A_354] {strides = array<i32>} : memref<128x128xf32, #tpu.memory_space<vmem>>, vector<16xf32>,
        %mul3A_356 = arith.mulf %get3A_355, %gather3A : vector<16xf32>
        %swap3A_357 = arith.index_cast %scan3A_322 : i32 to index
        %swap3A_358 = arith.constant 64 : index
        %swap3A_359 = tpu.vector_load %arg11[%swap3A_357, %swap3A_358] {strides = array<i32>} : memref<128x128xf32, #tpu.memory_space<vmem>>, vector<16xf32>,
        tpu.vector_store %arg11[%swap3A_357, %swap3A_358], %mul3A_356 {strides = array<i32>} : memref<128x128xf32, #tpu.memory_space<vmem>>, vector<16xf32>,
        %get3A_360 = arith.index_cast %scan3A_322 : i32 to index
        %get3A_361 = arith.constant 80 : index
        %get3A_362 = tpu.vector_load %arg11[%get3A_360, %get3A_361] {strides = array<i32>} : memref<128x128xf32, #tpu.memory_space<vmem>>, vector<16xf32>,
        %mul3A_363 = arith.mulf %get3A_362, %gather3A : vector<16xf32>
        %swap3A_364 = arith.index_cast %scan3A_322 : i32 to index
        %swap3A_365 = arith.constant 80 : index
        %swap3A_366 = tpu.vector_load %arg11[%swap3A_364, %swap3A_365] {strides = array<i32>} : memref<128x128xf32, #tpu.memory_space<vmem>>, vector<16xf32>,
        tpu.vector_store %arg11[%swap3A_364, %swap3A_365], %mul3A_363 {strides = array<i32>} : memref<128x128xf32, #tpu.memory_space<vmem>>, vector<16xf32>,
        %get3A_367 = arith.index_cast %scan3A_322 : i32 to index
        %get3A_368 = arith.constant 96 : index
        %get3A_369 = tpu.vector_load %arg11[%get3A_367, %get3A_368] {strides = array<i32>} : memref<128x128xf32, #tpu.memory_space<vmem>>, vector<16xf32>,
        %mul3A_370 = arith.mulf %get3A_369, %gather3A : vector<16xf32>
        %swap3A_371 = arith.index_cast %scan3A_322 : i32 to index
        %swap3A_372 = arith.constant 96 : index
        %swap3A_373 = tpu.vector_load %arg11[%swap3A_371, %swap3A_372] {strides = array<i32>} : memref<128x128xf32, #tpu.memory_space<vmem>>, vector<16xf32>,
        tpu.vector_store %arg11[%swap3A_371, %swap3A_372], %mul3A_370 {strides = array<i32>} : memref<128x128xf32, #tpu.memory_space<vmem>>, vector<16xf32>,
        %get3A_374 = arith.index_cast %scan3A_322 : i32 to index
        %get3A_375 = arith.constant 112 : index
        %get3A_376 = tpu.vector_load %arg11[%get3A_374, %get3A_375] {strides = array<i32>} : memref<128x128xf32, #tpu.memory_space<vmem>>, vector<16xf32>,
        %mul3A_377 = arith.mulf %get3A_376, %gather3A : vector<16xf32>
        %swap3A_378 = arith.index_cast %scan3A_322 : i32 to index
        %swap3A_379 = arith.constant 112 : index
        %swap3A_380 = tpu.vector_load %arg11[%swap3A_378, %swap3A_379] {strides = array<i32>} : memref<128x128xf32, #tpu.memory_space<vmem>>, vector<16xf32>,
        tpu.vector_store %arg11[%swap3A_378, %swap3A_379], %mul3A_377 {strides = array<i32>} : memref<128x128xf32, #tpu.memory_space<vmem>>, vector<16xf32>,
        %scan3A_381 = arith.constant 0 : i32
        scf.yield %scan3A_381 : i32
      }
      %scan3A_320 = arith.constant 128 : i32
      "tpu.region"() ({
        %run_scoped3A = tpu.sem_alloc : memref<!tpu.dma_semaphore, #tpu.memory_space<semaphore_mem>>
        %dma_start3A_322 = arith.constant 0 : i32
        %dma_start3A_323 = tpu.memref_slice %arg9[%scan3A_43, %dma_start3A_322] : memref<81x128xi32, #tpu.memory_space<vmem>> -> memref<1x128xi32, #tpu.memory_space<vmem>>
        %dma_start3A_324 = tpu.memref_squeeze %dma_start3A_323 : memref<1x128xi32, #tpu.memory_space<vmem>> -> memref<128xi32, #tpu.memory_space<vmem>>
        %dma_start3A_325 = arith.constant 0 : i32
        %dma_start3A_326 = arith.constant 0 : i32
        %dma_start3A_327 = tpu.memref_slice %arg19[%dma_start3A_325, %dma_start3A_326] : memref<10000x128xf32, #tpu.memory_space<vmem_shared>> -> memref<10000x128xf32, #tpu.memory_space<vmem_shared>>
        tpu.enqueue_indirect_dma source(%arg11 : memref<128x128xf32, #tpu.memory_space<vmem>>) target(%dma_start3A_327 : memref<10000x128xf32, #tpu.memory_space<vmem_shared>>) offsets(%dma_start3A_324 : memref<128xi32, #tpu.memory_space<vmem>>) semaphore(%run_scoped3A : memref<!tpu.dma_semaphore, #tpu.memory_space<semaphore_mem>>) {add = true}
        %dma_wait3A_328 = arith.constant 0 : i32
        %dma_wait3A_329 = tpu.memref_slice %arg9[%scan3A_43, %dma_wait3A_328] : memref<81x128xi32, #tpu.memory_space<vmem>> -> memref<1x128xi32, #tpu.memory_space<vmem>>
        %dma_wait3A_330 = tpu.memref_squeeze %dma_wait3A_329 : memref<1x128xi32, #tpu.memory_space<vmem>> -> memref<128xi32, #tpu.memory_space<vmem>>
        %dma_wait3A_331 = arith.constant 0 : i32
        %dma_wait3A_332 = arith.constant 0 : i32
        %dma_wait3A_333 = tpu.memref_slice %arg19[%dma_wait3A_331, %dma_wait3A_332] : memref<10000x128xf32, #tpu.memory_space<vmem_shared>> -> memref<10000x128xf32, #tpu.memory_space<vmem_shared>>
        tpu.wait_indirect_dma semaphore(%run_scoped3A : memref<!tpu.dma_semaphore, #tpu.memory_space<semaphore_mem>>) src(%arg11 : memref<128x128xf32, #tpu.memory_space<vmem>>) dst(%dma_wait3A_333 : memref<10000x128xf32, #tpu.memory_space<vmem_shared>>)
        tpu.yield
      }) : () -> ()
      %scan3A_321 = arith.constant 0 : i32
      scf.yield %scan3A_321 : i32
    }
    %scan3A_32 = arith.constant 81 : i32
    "tpu.region"() ({
      %run_scoped3A = tpu.sem_alloc : memref<!tpu.dma_semaphore, #tpu.memory_space<semaphore_mem>>
      %dma_start3A = arith.constant 0 : i32
      %dma_start3A_43 = tpu.memref_slice %arg8[%add3A, %dma_start3A] : memref<32x10000xf32, #tpu.memory_space<hbm>> -> memref<1x10000xf32, #tpu.memory_space<hbm>>
      %dma_start3A_44 = tpu.memref_squeeze %dma_start3A_43 : memref<1x10000xf32, #tpu.memory_space<hbm>> -> memref<10000xf32, #tpu.memory_space<hbm>>
      %dma_start3A_45 = arith.constant 0 : i32
      %dma_start3A_46 = tpu.memref_slice %arg8[%add3A, %dma_start3A_45] : memref<32x10000xf32, #tpu.memory_space<hbm>> -> memref<1x10000xf32, #tpu.memory_space<hbm>>
      %dma_start3A_47 = tpu.memref_squeeze %dma_start3A_46 : memref<1x10000xf32, #tpu.memory_space<hbm>> -> memref<10000xf32, #tpu.memory_space<hbm>>
      tpu.enqueue_dma source(%arg10 : memref<10000xf32, #tpu.memory_space<vmem>>) target(%dma_start3A_47 : memref<10000xf32, #tpu.memory_space<hbm>>) target_semaphore(%run_scoped3A : memref<!tpu.dma_semaphore, #tpu.memory_space<semaphore_mem>>)
      %dma_wait3A = arith.constant 0 : i32
      %dma_wait3A_48 = tpu.memref_slice %arg8[%add3A, %dma_wait3A] : memref<32x10000xf32, #tpu.memory_space<hbm>> -> memref<1x10000xf32, #tpu.memory_space<hbm>>
      %dma_wait3A_49 = tpu.memref_squeeze %dma_wait3A_48 : memref<1x10000xf32, #tpu.memory_space<hbm>> -> memref<10000xf32, #tpu.memory_space<hbm>>
      %dma_wait3A_50 = arith.constant 0 : i32
      %dma_wait3A_51 = tpu.memref_slice %arg8[%add3A, %dma_wait3A_50] : memref<32x10000xf32, #tpu.memory_space<hbm>> -> memref<1x10000xf32, #tpu.memory_space<hbm>>
      %dma_wait3A_52 = tpu.memref_squeeze %dma_wait3A_51 : memref<1x10000xf32, #tpu.memory_space<hbm>> -> memref<10000xf32, #tpu.memory_space<hbm>>
      tpu.wait_dma2 semaphore(%run_scoped3A : memref<!tpu.dma_semaphore, #tpu.memory_space<semaphore_mem>>) src(%arg10 : memref<10000xf32, #tpu.memory_space<vmem>>) dst(%dma_wait3A_52 : memref<10000xf32, #tpu.memory_space<hbm>>)
      tpu.yield
    }) : () -> ()
    %barrier3A_33 = arith.constant 0 : index
    tpu.barrier barrier_id(%barrier3A_33)
    %mul3A_34 = arith.constant 624 : i32
    %mul3A_35 = arith.muli %arg1, %mul3A_34 : i32
    %mul3A_36 = arith.constant 624 : i32
    %mul3A_37 = arith.muli %arg1, %mul3A_36 : i32
    "tpu.region"() ({
      %run_scoped3A = tpu.sem_alloc : memref<!tpu.dma_semaphore, #tpu.memory_space<semaphore_mem>>
      %dma_start3A = arith.constant 0 : i32
      %dma_start3A_43 = arith.constant 0 : i32
      %dma_start3A_44 = tpu.memref_slice %arg7[%arg0, %dma_start3A, %dma_start3A_43] : memref<2x10000x128xf32, #tpu.memory_space<hbm>> -> memref<1x10000x128xf32, #tpu.memory_space<hbm>>
      %dma_start3A_45 = tpu.memref_squeeze %dma_start3A_44 : memref<1x10000x128xf32, #tpu.memory_space<hbm>> -> memref<10000x128xf32, #tpu.memory_space<hbm>>
      %dma_start3A_46 = arith.constant 0 : i32
      %dma_start3A_47 = tpu.memref_slice %dma_start3A_45[%mul3A_37, %dma_start3A_46] : memref<10000x128xf32, #tpu.memory_space<hbm>> -> memref<624x128xf32, #tpu.memory_space<hbm>>
      %dma_start3A_48 = arith.constant 0 : i32
      %dma_start3A_49 = tpu.memref_slice %arg19[%mul3A_35, %dma_start3A_48] : memref<10000x128xf32, #tpu.memory_space<vmem_shared>> -> memref<624x128xf32, #tpu.memory_space<vmem_shared>>
      tpu.enqueue_dma source(%dma_start3A_49 : memref<624x128xf32, #tpu.memory_space<vmem_shared>>) target(%dma_start3A_47 : memref<624x128xf32, #tpu.memory_space<hbm>>) target_semaphore(%run_scoped3A : memref<!tpu.dma_semaphore, #tpu.memory_space<semaphore_mem>>)
      %dma_wait3A = arith.constant 0 : i32
      %dma_wait3A_50 = arith.constant 0 : i32
      %dma_wait3A_51 = tpu.memref_slice %arg7[%arg0, %dma_wait3A, %dma_wait3A_50] : memref<2x10000x128xf32, #tpu.memory_space<hbm>> -> memref<1x10000x128xf32, #tpu.memory_space<hbm>>
      %dma_wait3A_52 = tpu.memref_squeeze %dma_wait3A_51 : memref<1x10000x128xf32, #tpu.memory_space<hbm>> -> memref<10000x128xf32, #tpu.memory_space<hbm>>
      %dma_wait3A_53 = arith.constant 0 : i32
      %dma_wait3A_54 = tpu.memref_slice %dma_wait3A_52[%mul3A_37, %dma_wait3A_53] : memref<10000x128xf32, #tpu.memory_space<hbm>> -> memref<624x128xf32, #tpu.memory_space<hbm>>
      %dma_wait3A_55 = arith.constant 0 : i32
      %dma_wait3A_56 = tpu.memref_slice %arg19[%mul3A_35, %dma_wait3A_55] : memref<10000x128xf32, #tpu.memory_space<vmem_shared>> -> memref<624x128xf32, #tpu.memory_space<vmem_shared>>
      tpu.wait_dma2 semaphore(%run_scoped3A : memref<!tpu.dma_semaphore, #tpu.memory_space<semaphore_mem>>) src(%dma_wait3A_56 : memref<624x128xf32, #tpu.memory_space<vmem_shared>>) dst(%dma_wait3A_54 : memref<624x128xf32, #tpu.memory_space<hbm>>)
      tpu.yield
    }) : () -> ()
    %eq3A_38 = arith.constant 0 : i32
    %eq3A_39 = arith.cmpi eq, %arg1, %eq3A_38 : i32
    %convert_element_type3A_40 = arith.extui %eq3A_39 : i1 to i32
    %cond3A_41 = arith.constant 0 : i32
    %cond3A_42 = arith.cmpi ne, %convert_element_type3A_40, %cond3A_41 : i32
    scf.if %cond3A_42 {
      "tpu.region"() ({
        %run_scoped3A = tpu.sem_alloc : memref<!tpu.dma_semaphore, #tpu.memory_space<semaphore_mem>>
        %dma_start3A = arith.constant 0 : i32
        %dma_start3A_43 = arith.constant 0 : i32
        %dma_start3A_44 = tpu.memref_slice %arg7[%arg0, %dma_start3A, %dma_start3A_43] : memref<2x10000x128xf32, #tpu.memory_space<hbm>> -> memref<1x10000x128xf32, #tpu.memory_space<hbm>>
        %dma_start3A_45 = tpu.memref_squeeze %dma_start3A_44 : memref<1x10000x128xf32, #tpu.memory_space<hbm>> -> memref<10000x128xf32, #tpu.memory_space<hbm>>
        %dma_start3A_46 = arith.constant 9984 : i32
        %dma_start3A_47 = arith.constant 0 : i32
        %dma_start3A_48 = tpu.memref_slice %dma_start3A_45[%dma_start3A_46, %dma_start3A_47] : memref<10000x128xf32, #tpu.memory_space<hbm>> -> memref<16x128xf32, #tpu.memory_space<hbm>>
        %dma_start3A_49 = arith.constant 9984 : i32
        %dma_start3A_50 = arith.constant 0 : i32
        %dma_start3A_51 = tpu.memref_slice %arg19[%dma_start3A_49, %dma_start3A_50] : memref<10000x128xf32, #tpu.memory_space<vmem_shared>> -> memref<16x128xf32, #tpu.memory_space<vmem_shared>>
        tpu.enqueue_dma source(%dma_start3A_51 : memref<16x128xf32, #tpu.memory_space<vmem_shared>>) target(%dma_start3A_48 : memref<16x128xf32, #tpu.memory_space<hbm>>) target_semaphore(%run_scoped3A : memref<!tpu.dma_semaphore, #tpu.memory_space<semaphore_mem>>)
        %dma_wait3A = arith.constant 0 : i32
        %dma_wait3A_52 = arith.constant 0 : i32
        %dma_wait3A_53 = tpu.memref_slice %arg7[%arg0, %dma_wait3A, %dma_wait3A_52] : memref<2x10000x128xf32, #tpu.memory_space<hbm>> -> memref<1x10000x128xf32, #tpu.memory_space<hbm>>
        %dma_wait3A_54 = tpu.memref_squeeze %dma_wait3A_53 : memref<1x10000x128xf32, #tpu.memory_space<hbm>> -> memref<10000x128xf32, #tpu.memory_space<hbm>>
        %dma_wait3A_55 = arith.constant 9984 : i32
        %dma_wait3A_56 = arith.constant 0 : i32
        %dma_wait3A_57 = tpu.memref_slice %dma_wait3A_54[%dma_wait3A_55, %dma_wait3A_56] : memref<10000x128xf32, #tpu.memory_space<hbm>> -> memref<16x128xf32, #tpu.memory_space<hbm>>
        %dma_wait3A_58 = arith.constant 9984 : i32
        %dma_wait3A_59 = arith.constant 0 : i32
        %dma_wait3A_60 = tpu.memref_slice %arg19[%dma_wait3A_58, %dma_wait3A_59] : memref<10000x128xf32, #tpu.memory_space<vmem_shared>> -> memref<16x128xf32, #tpu.memory_space<vmem_shared>>
        tpu.wait_dma2 semaphore(%run_scoped3A : memref<!tpu.dma_semaphore, #tpu.memory_space<semaphore_mem>>) src(%dma_wait3A_60 : memref<16x128xf32, #tpu.memory_space<vmem_shared>>) dst(%dma_wait3A_57 : memref<16x128xf32, #tpu.memory_space<hbm>>)
        tpu.yield
      }) : () -> ()
    } else {
    }
    return
  }
}

module attributes {stable_mosaic.version = 14 : i64} {
  func.func @_proj_body(%arg0: i32, %arg1: memref<1000x128xf32, #tpu.memory_space<vmem>>, %arg2: memref<128x128xf32, #tpu.memory_space<vmem>>, %arg3: memref<128x8xf32, #tpu.memory_space<vmem>>, %arg4: memref<1000x128xf32, #tpu.memory_space<vmem>>, %arg5: memref<1000x8xf32, #tpu.memory_space<vmem>>) attributes {dimension_semantics = [#tpu.dimension_semantics<arbitrary>], iteration_bounds = array<i64: 10>, scalar_prefetch = 0 : i64, scratch_operands = 0 : i64, tpu.core_type = #tpu.core_type<tc>, window_params = [{transform_indices = @transform_0, window_bounds = array<i64: 1000, 128>}, {pipeline_mode = #tpu.pipeline_mode<synchronous>, transform_indices = @transform_1, window_bounds = array<i64: 128, 128>}, {pipeline_mode = #tpu.pipeline_mode<synchronous>, transform_indices = @transform_2, window_bounds = array<i64: 128, 8>}, {transform_indices = @transform_3, window_bounds = array<i64: 1000, 128>}, {transform_indices = @transform_4, window_bounds = array<i64: 1000, 8>}]} {
    %get3A = arith.constant 0 : index
    %get3A_0 = arith.constant 0 : index
    %get3A_1 = vector.load %arg1[%get3A, %get3A_0] : memref<1000x128xf32, #tpu.memory_space<vmem>>, vector<1000x128xf32>
    %get3A_2 = arith.constant 0 : index
    %get3A_3 = arith.constant 0 : index
    %get3A_4 = vector.load %arg2[%get3A_2, %get3A_3] : memref<128x128xf32, #tpu.memory_space<vmem>>, vector<128x128xf32>
    %dot_general3A = arith.constant dense<0.000000e+00> : vector<1000x128xf32>
    %dot_general3A_5 = tpu.matmul %get3A_1, %get3A_4, %dot_general3A {dimension_numbers = #tpu.dot_dimension_numbers<[1], [0], [0], [1], [0, 0, 1, 1], [], []>, transpose_lhs_hint = false} : vector<1000x128xf32>, vector<128x128xf32>, vector<1000x128xf32> -> vector<1000x128xf32>
    %swap3A = arith.constant 0 : index
    %swap3A_6 = arith.constant 0 : index
    %swap3A_7 = vector.load %arg4[%swap3A, %swap3A_6] : memref<1000x128xf32, #tpu.memory_space<vmem>>, vector<1000x128xf32>
    tpu.vector_store %arg4[%swap3A, %swap3A_6], %dot_general3A_5 {strides = array<i32>} : memref<1000x128xf32, #tpu.memory_space<vmem>>, vector<1000x128xf32>,
    %get3A_8 = arith.constant 0 : index
    %get3A_9 = arith.constant 0 : index
    %get3A_10 = vector.load %arg3[%get3A_8, %get3A_9] : memref<128x8xf32, #tpu.memory_space<vmem>>, vector<128x8xf32>
    %dot_general3A_11 = arith.constant dense<0.000000e+00> : vector<1000x8xf32>
    %dot_general3A_12 = tpu.matmul %dot_general3A_5, %get3A_10, %dot_general3A_11 {dimension_numbers = #tpu.dot_dimension_numbers<[1], [0], [0], [1], [0, 0, 1, 1], [], []>, transpose_lhs_hint = false} : vector<1000x128xf32>, vector<128x8xf32>, vector<1000x8xf32> -> vector<1000x8xf32>
    %swap3A_13 = arith.constant 0 : index
    %swap3A_14 = arith.constant 0 : index
    %swap3A_15 = vector.load %arg5[%swap3A_13, %swap3A_14] : memref<1000x8xf32, #tpu.memory_space<vmem>>, vector<1000x8xf32>
    tpu.vector_store %arg5[%swap3A_13, %swap3A_14], %dot_general3A_12 {strides = array<i32>} : memref<1000x8xf32, #tpu.memory_space<vmem>>, vector<1000x8xf32>,
    return
  }
  func.func @transform_0(%arg0: i32) -> (i32, i32) {
    %c0_i32 = arith.constant 0 : i32
    %c0_i32_0 = arith.constant 0 : i32
    return %arg0, %c0_i32 : i32, i32
  }
  func.func @transform_1(%arg0: i32) -> (i32, i32) {
    %c0_i32 = arith.constant 0 : i32
    %c0_i32_0 = arith.constant 0 : i32
    %c0_i32_1 = arith.constant 0 : i32
    return %c0_i32, %c0_i32_0 : i32, i32
  }
  func.func @transform_2(%arg0: i32) -> (i32, i32) {
    %c0_i32 = arith.constant 0 : i32
    %c0_i32_0 = arith.constant 0 : i32
    %c0_i32_1 = arith.constant 0 : i32
    return %c0_i32, %c0_i32_0 : i32, i32
  }
  func.func @transform_3(%arg0: i32) -> (i32, i32) {
    %c0_i32 = arith.constant 0 : i32
    %c0_i32_0 = arith.constant 0 : i32
    return %arg0, %c0_i32 : i32, i32
  }
  func.func @transform_4(%arg0: i32) -> (i32, i32) {
    %c0_i32 = arith.constant 0 : i32
    %c0_i32_0 = arith.constant 0 : i32
    return %arg0, %c0_i32 : i32, i32
  }
}

module attributes {stable_mosaic.version = 14 : i64} {
  func.func @_fin_body(%arg0: i32, %arg1: memref<2x1000x128xf32, #tpu.memory_space<vmem>>, %arg2: memref<1000x32xf32, #tpu.memory_space<vmem>>, %arg3: memref<128xf32, #tpu.memory_space<vmem>>, %arg4: memref<128x128xf32, #tpu.memory_space<vmem>>, %arg5: memref<128xf32, #tpu.memory_space<vmem>>, %arg6: memref<1x128xf32, #tpu.memory_space<vmem>>, %arg7: memref<1x128xf32, #tpu.memory_space<vmem>>) attributes {dimension_semantics = [#tpu.dimension_semantics<arbitrary>], iteration_bounds = array<i64: 10>, scalar_prefetch = 0 : i64, scratch_operands = 1 : i64, tpu.core_type = #tpu.core_type<tc>, window_params = [{transform_indices = @transform_0, window_bounds = array<i64: 2, 1000, 128>}, {transform_indices = @transform_1, window_bounds = array<i64: 1000, 32>}, {pipeline_mode = #tpu.pipeline_mode<synchronous>, transform_indices = @transform_2, window_bounds = array<i64: 128>}, {pipeline_mode = #tpu.pipeline_mode<synchronous>, transform_indices = @transform_3, window_bounds = array<i64: 128, 128>}, {pipeline_mode = #tpu.pipeline_mode<synchronous>, transform_indices = @transform_4, window_bounds = array<i64: 128>}, {pipeline_mode = #tpu.pipeline_mode<synchronous>, transform_indices = @transform_5, window_bounds = array<i64: 1, 128>}]} {
    %eq3A = arith.constant 0 : i32
    %eq3A_0 = arith.cmpi eq, %arg0, %eq3A : i32
    %convert_element_type3A = arith.extui %eq3A_0 : i1 to i32
    %cond3A = arith.constant 0 : i32
    %cond3A_1 = arith.cmpi ne, %convert_element_type3A, %cond3A : i32
    scf.if %cond3A_1 {
      %broadcast_in_dim3A_37 = arith.constant 0.000000e+00 : f32
      %broadcast_in_dim3A_38 = vector.broadcast %broadcast_in_dim3A_37 : f32 to vector<1x128xf32>
      %swap3A_39 = arith.constant 0 : index
      %swap3A_40 = arith.constant 0 : index
      %swap3A_41 = vector.load %arg7[%swap3A_39, %swap3A_40] : memref<1x128xf32, #tpu.memory_space<vmem>>, vector<1x128xf32>
      tpu.vector_store %arg7[%swap3A_39, %swap3A_40], %broadcast_in_dim3A_38 {strides = array<i32>} : memref<1x128xf32, #tpu.memory_space<vmem>>, vector<1x128xf32>,
    } else {
    }
    %get3A = arith.constant 0 : index
    %get3A_2 = arith.constant 0 : index
    %get3A_3 = arith.constant 0 : index
    %get3A_4 = vector.load %arg1[%get3A, %get3A_2, %get3A_3] : memref<2x1000x128xf32, #tpu.memory_space<vmem>>, vector<1x1000x128xf32>
    %get3A_5 = vector.shape_cast %get3A_4 : vector<1x1000x128xf32> to vector<1000x128xf32>
    %get3A_6 = arith.constant 1 : index
    %get3A_7 = arith.constant 0 : index
    %get3A_8 = arith.constant 0 : index
    %get3A_9 = vector.load %arg1[%get3A_6, %get3A_7, %get3A_8] : memref<2x1000x128xf32, #tpu.memory_space<vmem>>, vector<1x1000x128xf32>
    %get3A_10 = vector.shape_cast %get3A_9 : vector<1x1000x128xf32> to vector<1000x128xf32>
    %add3A = arith.addf %get3A_5, %get3A_10 : vector<1000x128xf32>
    %get3A_11 = arith.constant 0 : index
    %get3A_12 = arith.constant 0 : index
    %get3A_13 = vector.load %arg2[%get3A_11, %get3A_12] : memref<1000x32xf32, #tpu.memory_space<vmem>>, vector<1000x32xf32>
    %reduce_sum3A = arith.constant dense<0.000000e+00> : vector<1000xf32>
    %reduce_sum3A_14 = vector.multi_reduction <add>, %get3A_13, %reduce_sum3A [1] : vector<1000x32xf32> to vector<1000xf32>
    %broadcast_in_dim3A = vector.shape_cast %reduce_sum3A_14 : vector<1000xf32> to vector<1000x1xf32>
    %div3A = vector.broadcast %broadcast_in_dim3A : vector<1000x1xf32> to vector<1000x128xf32>
    %div3A_15 = arith.divf %add3A, %div3A : vector<1000x128xf32>
    %get3A_16 = arith.constant 0 : index
    %get3A_17 = vector.load %arg3[%get3A_16] : memref<128xf32, #tpu.memory_space<vmem>>, vector<128xf32>
    %broadcast_in_dim3A_18 = vector.shape_cast %get3A_17 : vector<128xf32> to vector<1x128xf32>
    %add3A_19 = vector.broadcast %broadcast_in_dim3A_18 : vector<1x128xf32> to vector<1000x128xf32>
    %add3A_20 = arith.addf %div3A_15, %add3A_19 : vector<1000x128xf32>
    %max3A = arith.constant 0.000000e+00 : f32
    %max3A_21 = vector.broadcast %max3A : f32 to vector<1000x128xf32>
    %max3A_22 = arith.maximumf %add3A_20, %max3A_21 : vector<1000x128xf32>
    %get3A_23 = arith.constant 0 : index
    %get3A_24 = arith.constant 0 : index
    %get3A_25 = vector.load %arg7[%get3A_23, %get3A_24] : memref<1x128xf32, #tpu.memory_space<vmem>>, vector<1x128xf32>
    %reduce_sum3A_26 = arith.constant dense<0.000000e+00> : vector<128xf32>
    %reduce_sum3A_27 = vector.multi_reduction <add>, %max3A_22, %reduce_sum3A_26 [0] : vector<1000x128xf32> to vector<128xf32>
    %broadcast_in_dim3A_28 = vector.shape_cast %reduce_sum3A_27 : vector<128xf32> to vector<1x128xf32>
    %add3A_29 = arith.addf %get3A_25, %broadcast_in_dim3A_28 : vector<1x128xf32>
    %swap3A = arith.constant 0 : index
    %swap3A_30 = arith.constant 0 : index
    %swap3A_31 = vector.load %arg7[%swap3A, %swap3A_30] : memref<1x128xf32, #tpu.memory_space<vmem>>, vector<1x128xf32>
    tpu.vector_store %arg7[%swap3A, %swap3A_30], %add3A_29 {strides = array<i32>} : memref<1x128xf32, #tpu.memory_space<vmem>>, vector<1x128xf32>,
    %eq3A_32 = arith.constant 9 : i32
    %eq3A_33 = arith.cmpi eq, %arg0, %eq3A_32 : i32
    %convert_element_type3A_34 = arith.extui %eq3A_33 : i1 to i32
    %cond3A_35 = arith.constant 0 : i32
    %cond3A_36 = arith.cmpi ne, %convert_element_type3A_34, %cond3A_35 : i32
    scf.if %cond3A_36 {
      %get3A_37 = arith.constant 0 : index
      %get3A_38 = arith.constant 0 : index
      %get3A_39 = vector.load %arg7[%get3A_37, %get3A_38] : memref<1x128xf32, #tpu.memory_space<vmem>>, vector<1x128xf32>
      %mul3A = arith.constant 9.99999974E-5 : f32
      %mul3A_40 = vector.broadcast %mul3A : f32 to vector<1x128xf32>
      %mul3A_41 = arith.mulf %get3A_39, %mul3A_40 : vector<1x128xf32>
      %get3A_42 = arith.constant 0 : index
      %get3A_43 = arith.constant 0 : index
      %get3A_44 = vector.load %arg4[%get3A_42, %get3A_43] : memref<128x128xf32, #tpu.memory_space<vmem>>, vector<128x128xf32>
      %dot_general3A = arith.constant dense<0.000000e+00> : vector<1x128xf32>
      %dot_general3A_45 = tpu.matmul %mul3A_41, %get3A_44, %dot_general3A {dimension_numbers = #tpu.dot_dimension_numbers<[1], [0], [0], [1], [0, 0, 1, 1], [], []>, transpose_lhs_hint = false} : vector<1x128xf32>, vector<128x128xf32>, vector<1x128xf32> -> vector<1x128xf32>
      %get3A_46 = arith.constant 0 : index
      %get3A_47 = vector.load %arg5[%get3A_46] : memref<128xf32, #tpu.memory_space<vmem>>, vector<128xf32>
      %broadcast_in_dim3A_48 = vector.shape_cast %get3A_47 : vector<128xf32> to vector<1x128xf32>
      %add3A_49 = arith.addf %dot_general3A_45, %broadcast_in_dim3A_48 : vector<1x128xf32>
      %swap3A_50 = arith.constant 0 : index
      %swap3A_51 = arith.constant 0 : index
      %swap3A_52 = vector.load %arg6[%swap3A_50, %swap3A_51] : memref<1x128xf32, #tpu.memory_space<vmem>>, vector<1x128xf32>
      tpu.vector_store %arg6[%swap3A_50, %swap3A_51], %add3A_49 {strides = array<i32>} : memref<1x128xf32, #tpu.memory_space<vmem>>, vector<1x128xf32>,
    } else {
    }
    return
  }
  func.func @transform_0(%arg0: i32) -> (i32, i32, i32) {
    %c0_i32 = arith.constant 0 : i32
    %c0_i32_0 = arith.constant 0 : i32
    %c0_i32_1 = arith.constant 0 : i32
    return %c0_i32, %arg0, %c0_i32_0 : i32, i32, i32
  }
  func.func @transform_1(%arg0: i32) -> (i32, i32) {
    %c0_i32 = arith.constant 0 : i32
    %c0_i32_0 = arith.constant 0 : i32
    return %arg0, %c0_i32 : i32, i32
  }
  func.func @transform_2(%arg0: i32) -> i32 {
    %c0_i32 = arith.constant 0 : i32
    %c0_i32_0 = arith.constant 0 : i32
    return %c0_i32 : i32
  }
  func.func @transform_3(%arg0: i32) -> (i32, i32) {
    %c0_i32 = arith.constant 0 : i32
    %c0_i32_0 = arith.constant 0 : i32
    %c0_i32_1 = arith.constant 0 : i32
    return %c0_i32, %c0_i32_0 : i32, i32
  }
  func.func @transform_4(%arg0: i32) -> i32 {
    %c0_i32 = arith.constant 0 : i32
    %c0_i32_0 = arith.constant 0 : i32
    return %c0_i32 : i32
  }
  func.func @transform_5(%arg0: i32) -> (i32, i32) {
    %c0_i32 = arith.constant 0 : i32
    %c0_i32_0 = arith.constant 0 : i32
    %c0_i32_1 = arith.constant 0 : i32
    return %c0_i32, %c0_i32_0 : i32, i32
  }
}

</mosaic_0001>

<sc_bundles>
// kernel: kernel.5.cloned.1.call-start
scs
__scs_entry_jumppad:
0x0: {  	(pc) =	sbr.rel $0x88, $3  }
0x1: {  	(tag) =	ssettag $0x0;
	lr =	simm.s32 $0x1  }
0x2: {  	[smem:$0x3F99] =	sst lr;
	_ =	strace $0xD0000000  }
0x3: {  	_ = 	snop  }
0x4: {  	_ = 	snop  }
0x5: {  	_ = 	snop  }
0x6: {  	_ = 	snop  }
0x7: {  	_ = 	snop  }
__scs_overlays_trampoline_lowered:
0x8: {  	[smem:$0x3FA8] =	sst s0  }
0x9: {  	[smem:$0x3FA9] =	sst s1  }
0xa: {  	[smem:$0x3FAA] =	sst s2  }
0xb: {  	[smem:$0x3FAB] =	sst s3  }
0xc: {  	[smem:$0x3FAC] =	sst s4  }
0xd: {  	[smem:$0x3FAD] =	sst s5  }
0xe: {  	[smem:$0x3FAE] =	sst s6  }
0xf: {  	[smem:$0x3FAF] =	sst s7  }
0x10: {  	[smem:$0x3FB0] =	sst s8  }
0x11: {  	[smem:$0x3FB1] =	sst s9;
	s0 =	simm.s32 @!p0 $0x0  }
0x12: {  	s1 =	sld [smem:$0x3F97];
	s0 =	simm.s32 @p0 $0x1  }
0x13: {  	[smem:$0x3FB2] =	sst s0;
	s0 =	simm.s32 @!p1 $0x0  }
0x14: {  	s2 =	sld [smem:$0x3F96];
	s0 =	simm.s32 @p1 $0x1  }
0x15: {  	[smem:$0x3FB3] =	sst s0;
	s0 =	simm.s32 @!p2 $0x0  }
0x16: {  	s3 =	sld [smem:$0x3FDB];
	s0 =	simm.s32 @p2 $0x1  }
0x17: {  	s4 =	simm.s32 $0x1BF5;
	[smem:$0x3FB5] =	sst s0  }
0x18: {  	s0 =	sld [smem:$0x3F98];
	_ =	swait.ge [sflag:s4], $0x0  }
0x19: {  	s7 =	sld [smem:$0x3F99]  }
0x1a: {  	s8 =	sadd.s32 $0xFFFFE003, lr  }
0x1b: {  	s9 =	sadd.s32 $0xFFFFFEF7, lr;
	s5 =	simm.s32 $0xFFFFFFFF;
	p2 =	slt.u32 s8, $0xFFFFF086  }
0x1c: {  	p1 =	slt.u32 s9, $0xF7A;
	s5 =	simm.s32 @!p2 $0x0  }
0x1d: {  	s5 =	simm.s32 @p1 $0x1;
	p0 =	seq.s32 s7, s2  }
0x1e: {  	s7 =	smul.u32 @!p0 $0xF7A, s2;
	p2 =	seq.s32 @!p0 s5, $0x0  }
0x1f: {  	s9 =	smul.u32 $0xF7A, s1;
	s8 =	simm.s32 @!p0 $0x1BF5;
	p2 =	por !p2, p0  }
0x20: {  	[sflag:s8] =	ssyncset.s32 @!p0 $0xFFFFF086;
	s6 =	sadd.s32 @!p0 s3, s7;
	s7 =	simm.s32 @!p0 $0x108  }
0x21: {  	s3 =	sadd.s32 s3, s9;
	s6 =	sadd.s32 @!p0 $0x88, s6;
	s7 =	simm.s32 @p2 $0x1082  }
0x22: {  	[simem:s7], [sflag:s8] =	dma.local @!p0 [hbm:s6], $0xF7A  }
0x23: {  	s9 =	sor.u32 $0xD0000000, s2;
	s6 =	simm.s32 $0x108;
	_ =	swait.ge @!p0 [sflag:s8], $0x0  }
0x24: {  	s3 =	sadd.s32 $0x88, s3;
	s6 =	simm.s32 @!p1 $0x1082;
	[sflag:s4] =	ssyncset.s32 $0xFFFFF086  }
0x25: {  	[simem:s6], [sflag:s4] =	dma.local [hbm:s3], $0xF7A  }
0x26: {  	[smem:$0x3F99] =	sst s1;
	(tag) =	ssettag s2;
	_ =	strace s9  }
0x27: {  	s1 =	sld [smem:$0x3FA9]  }
0x28: {  	s2 =	sld [smem:$0x3FAA]  }
0x29: {  	s4 =	sld [smem:$0x3FAC]  }
0x2a: {  	p0 =	seq.s32 s5, $0x0;
	s5 =	sld [smem:$0x3FAD]  }
0x2b: {  	s6 =	sld [smem:$0x3FAE]  }
0x2c: {  	s7 =	sld [smem:$0x3FAF]  }
0x2d: {  	s3 =	simm.s32 $0x108;
	s8 =	sld [smem:$0x3FB0]  }
0x2e: {  	s3 =	simm.s32 @!p0 $0x1082;
	s9 =	sld [smem:$0x3FB1]  }
0x2f: {  	lr =	sadd.s32 s0, s3;
	s0 =	sld [smem:$0x3FA8]  }
0x30: {  	s3 =	sld [smem:$0x3FAB]  }
0x31: {  	[smem:$0x3FB4] =	sst s10  }
0x32: {  	s10 =	sld [smem:$0x3FB2];
	_ =	sdelay $0x3  }
0x33: {  	p0 =	seq.s32 s10, $0x1;
	s10 =	sld [smem:$0x3FB4];
	_ =	sdelay $0x3  }
0x34: {  	[smem:$0x3FB4] =	sst s10  }
0x35: {  	s10 =	sld [smem:$0x3FB3];
	_ =	sdelay $0x3  }
0x36: {  	p1 =	seq.s32 s10, $0x1;
	s10 =	sld [smem:$0x3FB4];
	_ =	sdelay $0x3  }
0x37: {  	[smem:$0x3FB4] =	sst s10  }
0x38: {  	s10 =	sld [smem:$0x3FB5]  }
0x39: {  	_ = 	snop;
	(pc) =	sbr.ind lr, $3  }
0x3a: {  	_ = 	snop  }
0x3b: {  	_ = 	snop  }
0x3c: {  	p2 =	seq.s32 s10, $0x1;
	s10 =	sld [smem:$0x3FB4]  }
0x3d: {  	_ =	shalt  }
0x3e: {  	_ =	shalt  }
0x3f: {  	_ =	shalt  }
0x40: {  	_ =	shalt  }
0x41: {  	_ =	shalt  }
0x42: {  	_ =	shalt  }
0x43: {  	_ =	shalt  }
0x44: {  	_ =	shalt  }
0x45: {  	_ =	shalt  }
0x46: {  	_ =	shalt  }
0x47: {  	_ =	shalt  }
0x48: {  	_ =	shalt  }
0x49: {  	_ =	shalt  }
0x4a: {  	_ =	shalt  }
0x4b: {  	_ =	shalt  }
0x4c: {  	_ =	shalt  }
0x4d: {  	_ =	shalt  }
0x4e: {  	_ =	shalt  }
0x4f: {  	_ =	shalt  }
0x50: {  	_ =	shalt  }
0x51: {  	_ =	shalt  }
0x52: {  	_ =	shalt  }
0x53: {  	_ =	shalt  }
0x54: {  	_ =	shalt  }
0x55: {  	_ =	shalt  }
0x56: {  	_ =	shalt  }
0x57: {  	_ =	shalt  }
0x58: {  	_ =	shalt  }
0x59: {  	_ =	shalt  }
0x5a: {  	_ =	shalt  }
0x5b: {  	_ =	shalt  }
0x5c: {  	_ =	shalt  }
0x5d: {  	_ =	shalt  }
0x5e: {  	_ =	shalt  }
0x5f: {  	_ =	shalt  }
0x60: {  	_ =	shalt  }
0x61: {  	_ =	shalt  }
0x62: {  	_ =	shalt  }
0x63: {  	_ =	shalt  }
0x64: {  	_ =	shalt  }
0x65: {  	_ =	shalt  }
0x66: {  	_ =	shalt  }
0x67: {  	_ =	shalt  }
0x68: {  	_ =	shalt  }
0x69: {  	_ =	shalt  }
0x6a: {  	_ =	shalt  }
0x6b: {  	_ =	shalt  }
0x6c: {  	_ =	shalt  }
0x6d: {  	_ =	shalt  }
0x6e: {  	_ =	shalt  }
0x6f: {  	_ =	shalt  }
0x70: {  	_ =	shalt  }
0x71: {  	_ =	shalt  }
0x72: {  	_ =	shalt  }
0x73: {  	_ =	shalt  }
0x74: {  	_ =	shalt  }
0x75: {  	_ =	shalt  }
0x76: {  	_ =	shalt  }
0x77: {  	_ =	shalt  }
0x78: {  	_ =	shalt  }
0x79: {  	_ =	shalt  }
0x7a: {  	_ =	shalt  }
0x7b: {  	_ =	shalt  }
0x7c: {  	_ =	shalt  }
0x7d: {  	_ =	shalt  }
0x7e: {  	_ =	shalt  }
0x7f: {  	_ =	shalt  }
0x80: {  	_ =	shalt  }
0x81: {  	_ =	shalt  }
0x82: {  	_ =	shalt  }
0x83: {  	_ =	shalt  }
0x84: {  	_ =	shalt  }
0x85: {  	_ =	shalt  }
0x86: {  	_ =	shalt  }
0x87: {  	_ =	shalt  }
.Lfunc_end0:
.L_simem_size_0:
called_computation_lowered:
.L_overlay_start_0:
0x88: {  	s2 =	sld [smem:$0x3FD9]  }
0x89: {  	s3 =	sld [smem:$0x3FFE];
	_ =	sdelay $0x1  }
0x8a: {  	s1 =	srdreg.scid  }
0x8b: {  	s0 =	sand.u32 $0x1, s1  }
0x8c: {  	s16 =	sshll.u32 s0, $0xA;
	s2 =	sadd.s32 s3, s2  }
0x8d: {  	s2 =	sadd.s32 s2, s16  }
0x8e: {  	[smem:$0x3FC0] =	sst s2  }
0x8f: {  	_ = 	snop  }
0x90: {  	(tm) =	ssettm $0x1  }
0x91: {  	s17 =	sld [smem:$0x3FFB];
	_ =	sdelay $0x3  }
0x92: {  	_ =	strace s17  }
0x93: {  	s2 =	sld [smem:$0x3FFC];
	_ =	sdelay $0x3  }
0x94: {  	_ =	strace s2  }
0x95: {  	s2 =	sld [smem:$0x3FFD];
	_ =	sdelay $0x3  }
0x96: {  	_ =	strace s2  }
0x97: {  	_ =	strace $0x8FFFFFFF  }
0x98: {  	s18 =	sld [smem:$0x3FDB];
	_ =	sdelay $0x1  }
0x99: {  	s19 =	simm.s32 $_scs_section_size  }
0x9a: {  	s4 =	simm.s32 $_size__tile_overlayer_lowered;
	s5 =	simm.s32 $_tile_overlayer_lowered  }
0x9b: {  	s22 =	simm.s32 $0x1BFF;
	s21 =	sshll.u32 s5, $0x1;
	s2 =	sadd.s32 s19, s18  }
0x9c: {  	s6 =	simm.s32 $0x0;
	s20 =	sshll.u32 s4, $0x1;
	s4 =	sadd.s32 s21, s2  }
0x9d: {  	[timem:s6], [sflag:s22] =	dma.local [hbm:s4], s20  }
0x9e: {  	_ =	swait.ge [sflag:s22], s20  }
0x9f: {  	s3 =	ssub.s32 $0x0, s20;
	[sflag:s22] =	ssyncset.done $0x0  }
0xa0: {  	[sflag:s22] =	ssyncadd.s32 s3;
	_ =	sdelay $0x1  }
0xa1: {  	s23 =	simm.s32 $0x1B8B  }
0xa2: {  	_ =	swait.ge [sflag:s23], $0x1  }
0xa3: {  	[sflag:s23] =	ssyncset.done $0x0  }
0xa4: {  	s25 =	simm.s32 $0x1B8E;
	s24 =	sld [smem:$0x3FFE];
	[sflag:s23] =	ssyncadd.s32 $0xFFFFFFFF  }
0xa5: {  	s26 =	simm.s32 $execute0_lowered;
	[smem:$0x3FD2] =	sst s25  }
0xa6: {  	s4 =	sshll.u32 s26, $0x1;
	_ =	strace $0x80000046;
	[dreg:$0x1] =	wrdreg $0xFFFFFFFF  }
0xa7: {  	s28 =	simm.s32 $_size_execute0_lowered;
	s2 =	sadd.s32 s2, s4;
	[dreg:$0x0] =	wrdreg $0x0  }
0xa8: {  	s4 =	sshll.u32 s28, $0x1;
	[dreg:$0x2] =	wrdreg s2  }
0xa9: {  	[dreg:$0x3] =	wrdreg s4  }
0xaa: {  	[dreg:$0x4] =	wrdreg $0xC0  }
0xab: {  	_ =	task [dreg:s6], $0x5FFFF  }
0xac: {  	[dreg:$0x1] =	wrdreg $0xFFFFFFFF  }
0xad: {  	[dreg:$0x0] =	wrdreg $0x60  }
0xae: {  	[dreg:$0x2] =	wrdreg s24  }
0xaf: {  	[dreg:$0x3] =	wrdreg $0x95800  }
0xb0: {  	[dreg:$0x4] =	wrdreg $0x9  }
0xb1: {  	_ =	task.clear_ibuf [dreg:s6], $0x5FFFF;
	_ =	strace $0x90000046  }
0xb2: {  	s29 =	simm.s32 $0x9;
	_ =	strace $0x80000048  }
0xb3: {  	_ =	swait.ge [sflag:s29], $0x1  }
0xb4: {  	[sflag:s29] =	ssyncadd.s32 $0xFFFFFFFF  }
0xb5: {  	_ =	strace $0x90000048  }
0xb6: {  	_ =	sfence  }
0xb7: {  	s30 =	sld [smem:$0x0];
	_ =	sdelay $0x2  }
0xb8: {  	s31 =	sshll.u32 s1, $0xD;
	s1 =	sshrl.u32 s1, $0x2  }
0xb9: {  	s3 =	sand.u32 $0x4000, s31;
	s1 =	sadd.s32 s1, s30  }
0xba: {  	s0 =	sor.u32 s3, s0;
	s1 =	sshll.u32 s1, $0x11  }
0xbb: {  	s0 =	sor.u32 s1, s0  }
0xbc: {  	s0 =	sadd.s32 $0x8F2B, s0  }
0xbd: {  	[sflag:s0] =	ssyncadd.remote.s32 $0x1  }
0xbe: {  	_ =	sfence.sel $0xFFFF  }
0xbf: {  	[dreg:$0x0] =	wrdreg $0xFFFFFFFF;
	(pc) =	sbr.abs _section_cstart, $3  }
0xc0: {  	[dreg:$0x1] =	wrdreg $0xFFFFFFFF  }
0xc1: {  	_ =	task.clear_ibuf [dreg:s6], $0x2FFFF;
	_ =	strace $0x9FFFFFFF  }
0xc2: {  	(tm) =	ssettm $0x7FFFFFFF  }
0xc3: {  	_ =	shalt  }
tec
execute0_lowered:
.L_overlay_start_1:
0x0: {  	(tag) =	ssettag $0x1  }
0x1: {  	s1 =	rddreg [dreg:$0x0]  }
0x2: {  	s2 =	rddreg [dreg:$0x1]  }
0x3: {  	s0 =	srdreg.scid;
	s4 =	simm.s32 $0x0;
	s14 =	stileid.u32  }
0x4: {  	s20 =	simm.s32 $0x4;
	s21 =	simm.s32 $0x5380;
	s22 =	simm.s32 $0x9380  }
0x5: {  	s23 =	simm.s32 $0x80;
	s28 =	simm.s32 $0x1;
	s29 =	simm.s32 $0x2  }
0x6: {  	s30 =	simm.s32 $0x2C00;
	s31 =	simm.s32 $0x3;
	s0 =	sand.u32 $0x1, s0  }
0x7: {  	[smem:$0x7FF] =	sst s4;
	s5 =	sadd.s32 $0x3CA00, s1;
	s12 =	smul.u32 $0x4E000, s14  }
0x8: {  	s7 =	sshll.u32 s14, $0x7;
	s17 =	smul.u32 $0x2700, s14;
	p0 =	sne.s32 s14, $0x0  }
0x9: {  	s3 =	sshll.u32 s0, $0x4;
	_ =	strace $0x80000047;
	s9 =	smul.u32 $0x27100, s0  }
0xa: {  	s10 =	sand.u32 $0x380, s7;
	s7 =	sadd.s32 $0x15200, s1;
	s3 =	sor.u32 s14, s3  }
0xb: {  	s0 =	ssub.s32 $0x2, s0;
	s26 =	smul.u32 $0x580, s3;
	s6 =	sshrl.u32 s3, $0x3  }
0xc: {  	s16 =	sshrl.u32 s12, $0x2;
	s9 =	sadd.s32 s9, s1;
	s8 =	smul.u32 $0x13C00, s6  }
0xd: {  	s6 =	sadd.s32 $0x3C400, s1;
	s12 =	sadd.s32 $0x46E00, s9;
	s4 =	sadd.s32 s26, s1  }
0xe: {  	s8 =	sor.u32 s10, s8;
	s10 =	sshrl.u32 s0, $0x1;
	s13 =	sadd.s32 $0xA200, s4  }
0xf: {  	s8 =	sshrl.u32 s8, $0x3;
	s0 =	ssub.s32 s0, s10;
	[dreg:$0x3] =	wrdreg s13  }
0x10: {  	s10 =	sadd.s32 $0x138000, s2;
	s13 =	sadd.s32 s16, s2;
	s11 =	sadd.s32 s8, s1  }
0x11: {  	s8 =	smul.u32 $0x2880, s3;
	s0 =	smax.u32 s0, $0x1;
	s24 =	sadd.s32 $0x3400, s13  }
0x12: {  	s25 =	sadd.s32 $0x6800, s13;
	s26 =	sadd.s32 $0x9C00, s13;
	[dreg:$0x5] =	wrdreg s0  }
0x13: {  	s18 =	sadd.s32 $0xD000, s13;
	s19 =	sadd.s32 $0x10400, s13;
	[dreg:$0x6] =	wrdreg s24  }
0x14: {  	s3 =	simm.s32 $0x0;
	s15 =	sadd.s32 $0x3D000, s11;
	[dreg:$0x7] =	wrdreg s25  }
0x15: {  	[dreg:$0x8] =	wrdreg s26;
	s24 =	simm.s32 $0x9400;
	s25 =	sadd.s32 s17, s12  }
0x16: {  	v0 =	vimm.f32 $0.0e+00;
	s26 =	simm.s32 $0x9480;
	s0 =	simm.s32 $0x9500;
	[dreg:$0x4] =	wrdreg s15  }
.LBB2_1:
0x17: {  	s4 =	simm.s32 $0x0;
	s9 =	rddreg [dreg:$0x3]  }
0x18: {  	[tilespmem:s4], [sflag:$0x4] =	stream.linear.gather [hbm4b:s9+s4], $0x2880, $0x38;
	[tilespmem:$0x1CE00] =	vst v63  }
0x19: {  	_ =	swait.ge [sflag:s20], $0x2880  }
0x1a: {  	[sflag:s20] =	ssyncset.done $0x0  }
0x1b: {  	s4 =	simm.s32 $0x0;
	s9 =	simm.s32 $0x200;
	[sflag:s20] =	ssyncadd.s32 $0xFFFFD780  }
.LBB2_2:
0x1c: {  	p1 =	sne.s32 s9, $0xCE00;
	[tilespmem:s4+$0x53F0] =	vst v0  }
0x1d: {  	[tilespmem:s4+$0x5380] =	vst v0  }
0x1e: {  	[tilespmem:s4+$0x5390] =	vst v0  }
.Ltmp0:
0x1f: {  	[tilespmem:s4+$0x53A0] =	vst v0;
	(pc) =	sbr.rel @p1 .LBB2_2-.Ltmp0, $4  }
0x20: {  	[tilespmem:s4+$0x53B0] =	vst v0  }
0x21: {  	[tilespmem:s4+$0x53C0] =	vst v0  }
0x22: {  	[tilespmem:s4+$0x53D0] =	vst v0  }
0x23: {  	[tilespmem:s4+$0x53E0] =	vst v0;
	s4 =	sshra.s32 s9, $0x2;
	s9 =	sadd.s32 $0x200, s9  }
0x24: {  	[tilespmem:s4+$0x53F0] =	vst v0  }
0x25: {  	[tilespmem:s4+$0x5380] =	vst v0  }
0x26: {  	[tilespmem:s4+$0x5390] =	vst v0  }
0x27: {  	[tilespmem:s4+$0x53A0] =	vst v0  }
0x28: {  	[tilespmem:s4+$0x53B0] =	vst v0  }
0x29: {  	[tilespmem:s4+$0x53C0] =	vst v0  }
0x2a: {  	[tilespmem:s4+$0x53D0] =	vst v0  }
0x2b: {  	[tilespmem:s4+$0x53E0] =	vst v0  }
0x2c: {  	[spmem:s13] =	stream.linear.scatter [tilespmem:s21], [sflag:$0x4], $0x3400, $0x38;
	[tilespmem:$0x1CE00] =	vst v63  }
0x2d: {  	_ =	swait.ge [sflag:s20], $0x3400  }
0x2e: {  	[sflag:s20] =	ssyncset.done $0x0  }
0x2f: {  	s15 =	rddreg [dreg:$0x6];
	[sflag:s20] =	ssyncadd.s32 $0xFFFFCC00  }
0x30: {  	[spmem:s15] =	stream.linear.scatter [tilespmem:s21], [sflag:$0x4], $0x3400, $0x38;
	[tilespmem:$0x1CE00] =	vst v63  }
0x31: {  	_ =	swait.ge [sflag:s20], $0x3400  }
0x32: {  	[sflag:s20] =	ssyncset.done $0x0  }
0x33: {  	s16 =	rddreg [dreg:$0x7];
	[sflag:s20] =	ssyncadd.s32 $0xFFFFCC00  }
0x34: {  	[spmem:s16] =	stream.linear.scatter [tilespmem:s21], [sflag:$0x4], $0x3400, $0x38;
	[tilespmem:$0x1CE00] =	vst v63  }
0x35: {  	_ =	swait.ge [sflag:s20], $0x3400  }
0x36: {  	[sflag:s20] =	ssyncset.done $0x0  }
0x37: {  	s17 =	rddreg [dreg:$0x8];
	[sflag:s20] =	ssyncadd.s32 $0xFFFFCC00  }
0x38: {  	[spmem:s17] =	stream.linear.scatter [tilespmem:s21], [sflag:$0x4], $0x3400, $0x38;
	[tilespmem:$0x1CE00] =	vst v63  }
0x39: {  	_ =	swait.ge [sflag:s20], $0x3400  }
0x3a: {  	[sflag:s20] =	ssyncset.done $0x0  }
0x3b: {  	[sflag:s20] =	ssyncadd.s32 $0xFFFFCC00  }
0x3c: {  	[spmem:s18] =	stream.linear.scatter [tilespmem:s21], [sflag:$0x4], $0x3400, $0x38;
	[tilespmem:$0x1CE00] =	vst v63  }
0x3d: {  	_ =	swait.ge [sflag:s20], $0x3400  }
0x3e: {  	[sflag:s20] =	ssyncset.done $0x0  }
0x3f: {  	[sflag:s20] =	ssyncadd.s32 $0xFFFFCC00  }
0x40: {  	[spmem:s19] =	stream.linear.scatter [tilespmem:s21], [sflag:$0x4], $0x3400, $0x38;
	[tilespmem:$0x1CE00] =	vst v63  }
0x41: {  	_ =	swait.ge [sflag:s20], $0x3400  }
0x42: {  	[sflag:s20] =	ssyncset.done $0x0  }
0x43: {  	s4 =	simm.s32 @!p0 $0x5380;
	[sflag:s20] =	ssyncadd.s32 $0xFFFFCC00  }
0x44: {  	[spmem:s10] =	stream.linear.scatter @!p0 [tilespmem:s4], [sflag:$0x4], $0x800, $0x38;
	[tilespmem:$0x1CE00] =	vst v63  }
0x45: {  	s4 =	simm.s32 @!p0 $0x4  }
0x46: {  	_ =	swait.ge @!p0 [sflag:s4], $0x800  }
0x47: {  	[sflag:s4] =	ssyncset.done @!p0 $0x0  }
0x48: {  	s9 =	simm.s32 $0x0;
	[sflag:s4] =	ssyncadd.s32 @!p0 $0xFFFFF800;
	s4 =	simm.s32 $0x40  }
.LBB2_4:
0x49: {  	p1 =	sne.s32 s4, $0x9C00;
	[tilespmem:s9+$0x2C00] =	vst v0;
	s9 =	smov.u32 s4;
	s4 =	sadd.s32 $0x40, s4  }
.Ltmp1:
0x4a: {  	(pc) =	sbr.rel @p1 .LBB2_4-.Ltmp1, $2  }
0x4b: {  	_ =	sdelay $0x2  }
0x4c: {  	s9 =	sshra.s32 s9, $0x2  }
0x4d: {  	[tilespmem:s9+$0x2C00] =	vst v0  }
0x4e: {  	s4 =	simm.s32 $0x0;
	s9 =	simm.s32 $0x0;
	[bflag:$0x0] =	sbarrier.arrive $0xFFFF  }
.LBB2_6:
0x4f: {  	s11 =	sshll.u32 s9, $0x7  }
0x50: {  	s14 =	sadd.s32 s8, s11  }
0x51: {  	s15 =	sshrl.u32 s14, $0x3  }
0x52: {  	s15 =	sadd.s32 s1, s15  }
0x53: {  	[tilespmem:s22], [sflag:$0x4] =	stream.linear.gather [hbm4b:s15+s4], $0x80, $0x38;
	[tilespmem:$0x1CE00] =	vst v63  }
0x54: {  	_ =	swait.ge [sflag:s20], $0x80  }
0x55: {  	[sflag:s20] =	ssyncset.done $0x0  }
0x56: {  	[sflag:s20] =	ssyncadd.s32 $0xFFFFFF80  }
0x57: {  	[tilespmem:s24], [sflag:$0x1] =	stream.indirect.gather [hbm4b:s5+s23], $0x1, s22, s23, $0xb8;
	[tilespmem:$0x1CE00] =	vst v63  }
0x58: {  	_ = 	snop  }
0x59: {  	[tilespmem:s26], [sflag:$0x2] =	stream.indirect.gather [hbm4b:s6+s23], $0x1, s11, s23, $0xb8;
	[tilespmem:$0x1CE00] =	vst v63  }
0x5a: {  	_ = 	snop  }
0x5b: {  	[tilespmem:s21], [sflag:$0x3] =	stream.indirect.gather [hbm4b:s7+s23], $0x80, s22, s23, $0xb8;
	[tilespmem:$0x1CE00] =	vst v63  }
0x5c: {  	_ =	swait.ge [sflag:s28], $0x80  }
0x5d: {  	[sflag:s28] =	ssyncset.done $0x0  }
0x5e: {  	[sflag:s28] =	ssyncadd.s32 $0xFFFFFF80  }
0x5f: {  	_ =	swait.ge [sflag:s29], $0x80  }
0x60: {  	[sflag:s29] =	ssyncset.done $0x0  }
0x61: {  	[sflag:s29] =	ssyncadd.s32 $0xFFFFFF80  }
0x62: {  	v1 =	vld [tilespmem:$0x9400]  }
0x63: {  	v2 =	vld [tilespmem:$0x9480];
	_ =	sdelay $0x4  }
0x64: {  	v1 =	vadd.f32 v2, v1;
	_ =	sdelay $0x1  }
0x65: {  	v2 =	vmul.f32 $2.000000030e-01, v1  }
0x66: {  	vm0 =	vgt.f32 v1, $0.0e+00  }
0x67: {  	v1 =	vsel vm0, v1, v2  }
0x68: {  	v1 =	vmul.f32 $1.442695020e+00, v1;
	_ =	sdelay $0x1  }
0x69: {  	(erf) = vpow2.f32 v1;
	_ =	sdelay $0x8  }
0x6a: {  	p1 =	slt.u32 s14, $0x50910;
	v1 =	vpop (erf)  }
0x6b: {  	v1 =	vpsel !p1, $0x0, v1  }
0x6c: {  	[tilespmem:$0x9500] =	vst v1  }
0x6d: {  	v2 =	vld [tilespmem:s11+$0x0];
	_ =	sdelay $0x7  }
0x6e: {  	[tilespmem:v2+s30+$0x0] =	vst.idx.add.f32.msk $0xffff, v1  }
0x6f: {  	v1 =	vld [tilespmem:$0x9410]  }
0x70: {  	v2 =	vld [tilespmem:$0x9490];
	_ =	sdelay $0x4  }
0x71: {  	v1 =	vadd.f32 v2, v1;
	_ =	sdelay $0x1  }
0x72: {  	v2 =	vmul.f32 $2.000000030e-01, v1  }
0x73: {  	vm9 =	vgt.f32 v1, $0.0e+00  }
0x74: {  	v1 =	vsel vm9, v1, v2  }
0x75: {  	v1 =	vmul.f32 $1.442695020e+00, v1;
	_ =	sdelay $0x1  }
0x76: {  	(erf) = vpow2.f32 v1;
	_ =	sdelay $0x7  }
0x77: {  	s16 =	sor.u32 $0x10, s14  }
0x78: {  	p5 =	slt.u32 s16, $0x50910;
	v1 =	vpop (erf)  }
0x79: {  	v1 =	vpsel !p5, $0x0, v1  }
0x7a: {  	[tilespmem:$0x9510] =	vst v1  }
0x7b: {  	v2 =	vld [tilespmem:s11+$0x10];
	_ =	sdelay $0x7  }
0x7c: {  	[tilespmem:v2+s30+$0x0] =	vst.idx.add.f32.msk $0xffff, v1  }
0x7d: {  	v1 =	vld [tilespmem:$0x9420]  }
0x7e: {  	v2 =	vld [tilespmem:$0x94A0];
	_ =	sdelay $0x4  }
0x7f: {  	v1 =	vadd.f32 v2, v1;
	_ =	sdelay $0x1  }
0x80: {  	v2 =	vmul.f32 $2.000000030e-01, v1  }
0x81: {  	vm10 =	vgt.f32 v1, $0.0e+00  }
0x82: {  	v1 =	vsel vm10, v1, v2  }
0x83: {  	v1 =	vmul.f32 $1.442695020e+00, v1;
	_ =	sdelay $0x1  }
0x84: {  	(erf) = vpow2.f32 v1;
	_ =	sdelay $0x7  }
0x85: {  	s17 =	sor.u32 $0x20, s14  }
0x86: {  	p6 =	slt.u32 s17, $0x50910;
	v1 =	vpop (erf)  }
0x87: {  	v1 =	vpsel !p6, $0x0, v1  }
0x88: {  	[tilespmem:$0x9520] =	vst v1  }
0x89: {  	v2 =	vld [tilespmem:s11+$0x20];
	_ =	sdelay $0x7  }
0x8a: {  	[tilespmem:v2+s30+$0x0] =	vst.idx.add.f32.msk $0xffff, v1  }
0x8b: {  	v1 =	vld [tilespmem:$0x9430]  }
0x8c: {  	v2 =	vld [tilespmem:$0x94B0];
	_ =	sdelay $0x4  }
0x8d: {  	v1 =	vadd.f32 v2, v1;
	_ =	sdelay $0x1  }
0x8e: {  	v2 =	vmul.f32 $2.000000030e-01, v1  }
0x8f: {  	vm11 =	vgt.f32 v1, $0.0e+00  }
0x90: {  	v1 =	vsel vm11, v1, v2  }
0x91: {  	v1 =	vmul.f32 $1.442695020e+00, v1;
	_ =	sdelay $0x1  }
0x92: {  	(erf) = vpow2.f32 v1;
	_ =	sdelay $0x7  }
0x93: {  	s16 =	sor.u32 $0x30, s14  }
0x94: {  	p2 =	slt.u32 s16, $0x50910;
	v1 =	vpop (erf)  }
0x95: {  	v1 =	vpsel !p2, $0x0, v1  }
0x96: {  	[tilespmem:$0x9530] =	vst v1  }
0x97: {  	v2 =	vld [tilespmem:s11+$0x30];
	_ =	sdelay $0x7  }
0x98: {  	[tilespmem:v2+s30+$0x0] =	vst.idx.add.f32.msk $0xffff, v1  }
0x99: {  	v1 =	vld [tilespmem:$0x9440]  }
0x9a: {  	v2 =	vld [tilespmem:$0x94C0];
	_ =	sdelay $0x4  }
0x9b: {  	v1 =	vadd.f32 v2, v1;
	_ =	sdelay $0x1  }
0x9c: {  	v2 =	vmul.f32 $2.000000030e-01, v1  }
0x9d: {  	vm12 =	vgt.f32 v1, $0.0e+00  }
0x9e: {  	v1 =	vsel vm12, v1, v2  }
0x9f: {  	v1 =	vmul.f32 $1.442695020e+00, v1;
	_ =	sdelay $0x1  }
0xa0: {  	(erf) = vpow2.f32 v1;
	_ =	sdelay $0x7  }
0xa1: {  	s17 =	sor.u32 $0x40, s14  }
0xa2: {  	p3 =	slt.u32 s17, $0x50910;
	v1 =	vpop (erf)  }
0xa3: {  	v1 =	vpsel !p3, $0x0, v1  }
0xa4: {  	[tilespmem:$0x9540] =	vst v1  }
0xa5: {  	v2 =	vld [tilespmem:s11+$0x40];
	_ =	sdelay $0x7  }
0xa6: {  	[tilespmem:v2+s30+$0x0] =	vst.idx.add.f32.msk $0xffff, v1  }
0xa7: {  	v1 =	vld [tilespmem:$0x9450]  }
0xa8: {  	v2 =	vld [tilespmem:$0x94D0];
	_ =	sdelay $0x4  }
0xa9: {  	v1 =	vadd.f32 v2, v1;
	_ =	sdelay $0x1  }
0xaa: {  	v2 =	vmul.f32 $2.000000030e-01, v1  }
0xab: {  	vm13 =	vgt.f32 v1, $0.0e+00  }
0xac: {  	v1 =	vsel vm13, v1, v2  }
0xad: {  	v1 =	vmul.f32 $1.442695020e+00, v1;
	_ =	sdelay $0x1  }
0xae: {  	(erf) = vpow2.f32 v1;
	_ =	sdelay $0x7  }
0xaf: {  	s16 =	sor.u32 $0x50, s14  }
0xb0: {  	p4 =	slt.u32 s16, $0x50910;
	v1 =	vpop (erf)  }
0xb1: {  	v1 =	vpsel !p4, $0x0, v1  }
0xb2: {  	[tilespmem:$0x9550] =	vst v1  }
0xb3: {  	v2 =	vld [tilespmem:s11+$0x50];
	_ =	sdelay $0x7  }
0xb4: {  	[tilespmem:v2+s30+$0x0] =	vst.idx.add.f32.msk $0xffff, v1  }
0xb5: {  	v1 =	vld [tilespmem:$0x9460]  }
0xb6: {  	v2 =	vld [tilespmem:$0x94E0];
	_ =	sdelay $0x4  }
0xb7: {  	v1 =	vadd.f32 v2, v1;
	_ =	sdelay $0x1  }
0xb8: {  	v2 =	vmul.f32 $2.000000030e-01, v1  }
0xb9: {  	vm14 =	vgt.f32 v1, $0.0e+00  }
0xba: {  	v1 =	vsel vm14, v1, v2  }
0xbb: {  	v1 =	vmul.f32 $1.442695020e+00, v1;
	_ =	sdelay $0x1  }
0xbc: {  	(erf) = vpow2.f32 v1;
	_ =	sdelay $0x7  }
0xbd: {  	s17 =	sor.u32 $0x60, s14  }
0xbe: {  	p5 =	slt.u32 s17, $0x50910;
	v1 =	vpop (erf)  }
0xbf: {  	v1 =	vpsel !p5, $0x0, v1  }
0xc0: {  	[tilespmem:$0x9560] =	vst v1  }
0xc1: {  	v2 =	vld [tilespmem:s11+$0x60];
	_ =	sdelay $0x7  }
0xc2: {  	[tilespmem:v2+s30+$0x0] =	vst.idx.add.f32.msk $0xffff, v1  }
0xc3: {  	v1 =	vld [tilespmem:$0x9470]  }
0xc4: {  	v2 =	vld [tilespmem:$0x94F0];
	_ =	sdelay $0x4  }
0xc5: {  	v1 =	vadd.f32 v2, v1;
	_ =	sdelay $0x1  }
0xc6: {  	v2 =	vmul.f32 $2.000000030e-01, v1  }
0xc7: {  	vm15 =	vgt.f32 v1, $0.0e+00  }
0xc8: {  	v1 =	vsel vm15, v1, v2  }
0xc9: {  	v1 =	vmul.f32 $1.442695020e+00, v1;
	_ =	sdelay $0x1  }
0xca: {  	(erf) = vpow2.f32 v1;
	_ =	sdelay $0x7  }
0xcb: {  	s14 =	sor.u32 $0x70, s14  }
0xcc: {  	p6 =	slt.u32 s14, $0x50910;
	v1 =	vpop (erf)  }
0xcd: {  	v1 =	vpsel !p6, $0x0, v1  }
0xce: {  	[tilespmem:$0x9570] =	vst v1  }
0xcf: {  	v2 =	vld [tilespmem:s11+$0x70];
	_ =	sdelay $0x7  }
0xd0: {  	[tilespmem:v2+s30+$0x0] =	vst.idx.add.f32.msk $0xffff, v1  }
0xd1: {  	_ =	swait.ge [sflag:s31], $0x4000  }
0xd2: {  	v1 =	vmov s4;
	[sflag:s31] =	ssyncset.done $0x0  }
0xd3: {  	s14 =	simm.s32 $0x53C0;
	[sflag:s31] =	ssyncadd.s32 $0xFFFFC000  }
0xd4: {  	v5 =	vld [tilespmem:s14+$0x30]  }
0xd5: {  	v8 =	vld [tilespmem:s14+$0x10]  }
0xd6: {  	v6 =	vld [tilespmem:s14+$0xFFFFFFC0]  }
0xd7: {  	v2 =	vld.idx.msk [tilespmem:v1+s0+$0x0], $0xffff  }
0xd8: {  	v10 =	vld [tilespmem:s14+$0xFFFFFFE0]  }
0xd9: {  	v3 =	vld [tilespmem:s14+$0x20]  }
0xda: {  	v4 =	vld [tilespmem:s14+$0xFFFFFFD0]  }
0xdb: {  	v1 =	vld [tilespmem:s14+$0xFFFFFFF0]  }
0xdc: {  	v9 =	vmul.f32 v5, v2;
	v5 =	vld [tilespmem:s14+$0x0]  }
0xdd: {  	v7 =	vmul.f32 v6, v2  }
0xde: {  	s15 =	simm.s32 $0x1;
	s16 =	simm.s32 $0x53C0;
	v6 =	vmul.f32 v10, v2;
	v8 =	vmul.f32 v8, v2  }
.LBB2_7:
0xdf: {  	p1 =	sne.s32 s15, $0x7F  }
0xe0: {  	v4 =	vmul.f32 v4, v2;
	v3 =	vmul.f32 v3, v2;
	[tilespmem:s14+$0x30] =	vst v9;
	s16 =	sadd.s32 $0x80, s16;
	s17 =	smov.u32 s15;
	s15 =	sadd.s32 $0x1, s15  }
0xe1: {  	[tilespmem:s14+$0xFFFFFFC0] =	vst v7;
	v7 =	vmul.f32 v1, v2;
	v2 =	vmul.f32 v5, v2  }
0xe2: {  	[tilespmem:s14+$0x10] =	vst v8  }
0xe3: {  	v5 =	vmov s17;
	[tilespmem:s14+$0xFFFFFFE0] =	vst v6  }
0xe4: {  	v1 =	vld [tilespmem:s16+$0xFFFFFFF0];
	[tilespmem:s14+$0xFFFFFFF0] =	vst v7  }
0xe5: {  	v6 =	vld [tilespmem:s16+$0x30];
	[tilespmem:s14+$0x0] =	vst v2  }
0xe6: {  	v8 =	vld [tilespmem:s16+$0x10];
	[tilespmem:s14+$0x20] =	vst v3  }
0xe7: {  	v7 =	vld [tilespmem:s16+$0xFFFFFFC0];
	[tilespmem:s14+$0xFFFFFFD0] =	vst v4;
	s14 =	smov.u32 s16  }
0xe8: {  	v2 =	vld.idx.msk [tilespmem:v5+s0+$0x0], $0xffff  }
0xe9: {  	v10 =	vld [tilespmem:s16+$0xFFFFFFE0]  }
0xea: {  	v3 =	vld [tilespmem:s16+$0x20]  }
.Ltmp2:
0xeb: {  	v4 =	vld [tilespmem:s16+$0xFFFFFFD0];
	(pc) =	sbr.rel @p1 .LBB2_7-.Ltmp2, $3  }
0xec: {  	v5 =	vld [tilespmem:s16+$0x0];
	_ =	sdelay $0x1  }
0xed: {  	v7 =	vmul.f32 v7, v2;
	v9 =	vmul.f32 v6, v2  }
0xee: {  	v8 =	vmul.f32 v8, v2;
	v6 =	vmul.f32 v10, v2  }
0xef: {  	[tilespmem:s14+$0x30] =	vst v9  }
0xf0: {  	[tilespmem:s14+$0xFFFFFFC0] =	vst v7  }
0xf1: {  	v1 =	vmul.f32 v1, v2;
	[tilespmem:s14+$0x10] =	vst v8  }
0xf2: {  	v3 =	vmul.f32 v3, v2;
	[tilespmem:s14+$0xFFFFFFE0] =	vst v6  }
0xf3: {  	v5 =	vmul.f32 v5, v2;
	[tilespmem:s14+$0xFFFFFFF0] =	vst v1  }
0xf4: {  	s9 =	sadd.s32 $0x1, s9;
	v1 =	vmul.f32 v4, v2;
	[tilespmem:s14+$0x20] =	vst v3  }
0xf5: {  	p1 =	sne.s32 s9, $0x51;
	[tilespmem:s14+$0x0] =	vst v5  }
.Ltmp3:
0xf6: {  	[tilespmem:s14+$0xFFFFFFD0] =	vst v1;
	(pc) =	sbr.rel @p1 .LBB2_6-.Ltmp3, $4  }
0xf7: {  	[spmem:s2] =	stream.indirect.scatter.add.f32 [tilespmem:s21], [sflag:$0x4], $0x80, s11, s23, $0xb8;
	[tilespmem:$0x1CE00] =	vst v63  }
0xf8: {  	_ =	swait.ge [sflag:s20], $0x4000  }
0xf9: {  	[sflag:s20] =	ssyncset.done $0x0  }
0xfa: {  	[sflag:s20] =	ssyncadd.s32 $0xFFFFC000  }
0xfb: {  	s4 =	rddreg [dreg:$0x4];
	s9 =	simm.s32 $0x400  }
0xfc: {  	[hbm4b:s4+s23] =	stream.strided.scatter [tilespmem:s30], [sflag:$0x4], $0x2780, s9, s23, $0x38;
	[tilespmem:$0x1CE00] =	vst v63  }
0xfd: {  	_ =	swait.ge [sflag:s20], $0x2780  }
0xfe: {  	s15 =	stileid.u32;
	[sflag:s20] =	ssyncset.done $0x0  }
0xff: {  	s4 =	sshll.u32 s15, $0x6;
	[sflag:s20] =	ssyncadd.s32 $0xFFFFD880  }
0x100: {  	s16 =	sshrl.u32 s13, $0x3;
	s4 =	sor.u32 $0x1C04, s4;
	[bflag:$0x0] =	sbarrier.arrive $0xFFFF  }
0x101: {  	[hbm:s25], [sflag:s4] =	dma.local [spmem:s16], $0x2700  }
0x102: {  	_ =	swait.ge [sflag:s20], $0x2700  }
0x103: {  	[sflag:s20] =	ssyncset.done $0x0  }
0x104: {  	s11 =	sshrl.u32 @!p0 s10, $0x3;
	s9 =	sadd.s32 @!p0 $0x27000, s12;
	[sflag:s20] =	ssyncadd.s32 $0xFFFFD900  }
0x105: {  	[hbm:s9], [sflag:s4] =	dma.local @!p0 [spmem:s11], $0x100  }
0x106: {  	s4 =	simm.s32 @!p0 $0x4  }
0x107: {  	_ =	swait.ge @!p0 [sflag:s4], $0x100  }
0x108: {  	s3 =	sadd.s32 $0x1, s3;
	s17 =	rddreg [dreg:$0x5]  }
0x109: {  	p1 =	sne.s32 s3, s17  }
.Ltmp4:
0x10a: {  	_ = 	snop;
	(pc) =	sbr.rel @p1 .LBB2_1-.Ltmp4, $3  }
0x10b: {  	_ =	sdelay $0x1  }
0x10c: {  	[sflag:s4] =	ssyncset.done @!p0 $0x0  }
0x10d: {  	[sflag:s4] =	ssyncadd.s32 @!p0 $0xFFFFFF00  }
0x10e: {  	_ =	sfence.sel $0x180000  }
0x10f: {  	[bflag:$0x0] =	sbarrier.arrive $0xFFFF  }
0x110: {  	_ =	strace $0x90000047  }
0x111: {  	[bflag:$0x2] =	sbarrier.arrive $0xFFFF  }
0x112: {  	s0 =	rddreg [dreg:$0x2]  }
0x113: {  	s0 =	sadd.s32 @!p0 $0x100000, s0  }
0x114: {  	[sflag:s0] =	ssyncadd.tile.s32 @!p0 $0x1;
	_ =	shalt  }
.Lfunc_end2:
_tile_overlayer_lowered:
.L_overlay_start_2:
0x115: {  	(tag) =	ssettag $0x2  }
0x116: {  	s0 =	rddreg [dreg:$0x0];
	s2 =	stileid.u32  }
0x117: {  	s1 =	rddreg [dreg:$0x1];
	p0 =	sne.s32 s2, $0x0  }
0x118: {  	s3 =	rddreg [dreg:$0x2];
	[bflag:$0x3] =	sbarrier.arrive $0xFFFF;
	s2 =	simm.s32 @!p0 $0x1C04  }
0x119: {  	[timem:s3], [sflag:s2] =	dma.local @!p0 [hbm:s0], s1  }
0x11a: {  	s0 =	simm.s32 @!p0 $0x4  }
0x11b: {  	_ =	swait.ge @!p0 [sflag:s0], s1  }
0x11c: {  	s1 =	ssub.s32 @!p0 $0x0, s1;
	[sflag:s0] =	ssyncset.done @!p0 $0x0  }
0x11d: {  	[sflag:s0] =	ssyncadd.s32 @!p0 s1  }
0x11e: {  	[bflag:$0x3] =	sbarrier.arrive $0xFFFF  }
0x11f: {  	_ =	shalt  }

</sc_bundles>
